<compile_context>
chip_gen: v7x
topology: tpu7x:2x2x1
jax: 0.10.2.dev20260603
libtpu: 0.0.44.dev20260713+nightly
codegen_flags: <defaults>
</compile_context>

<pallas_src>
import functools

import jax
import jax.numpy as jnp
from jax import lax
from jax.experimental import pallas as pl
from jax.experimental.pallas import tpu as pltpu
from jax.experimental.pallas import tpu_sc as plsc

N_IN = 100000
N_OUT = 50000
K = 8
E = 12500
C = 32

E_PAD = 12800
TOT = K * E_PAD
NC, NS = 2, 16
NW = NC * NS
BPW = TOT // NW
IBLK = 128
NBLK = BPW // IBLK
OWN = N_OUT // NC
SHH = 25600
ZROWS = SHH // NS
ZB = 160
R = 1280
CH = TOT // NS // R
NBLK2 = R // IBLK

_mesh = plsc.VectorSubcoreMesh(core_axis_name="c", subcore_axis_name="s",
                               num_cores=NC, num_subcores=NS)
_sc_params = pltpu.CompilerParams(use_tc_tiling_on_sc=False)


@functools.partial(
    pl.kernel,
    out_type=jax.ShapeDtypeStruct((TOT, C), jnp.float32),
    mesh=_mesh,
    scratch_types=[
        pltpu.VMEM((NBLK, IBLK), jnp.int32),
        pltpu.VMEM((BPW, C), jnp.float32),
        pltpu.SemaphoreType.DMA,
    ],
    compiler_params=_sc_params,
)
def _gather_stage(feats_hbm, idx_hbm, out_hbm, idx_v, rows_v, sem):
    wid = lax.axis_index("s") * NC + lax.axis_index("c")
    pltpu.sync_copy(idx_hbm.at[wid], idx_v)

    @pl.loop(0, NBLK)
    def _fire(j):
        pltpu.async_copy(feats_hbm.at[idx_v.at[j]],
                         rows_v.at[pl.ds(j * IBLK, IBLK)], sem)

    @pl.loop(0, NBLK)
    def _drain(j):
        pltpu.make_async_copy(feats_hbm.at[idx_v.at[j]],
                              rows_v.at[pl.ds(j * IBLK, IBLK)], sem).wait()

    pltpu.sync_copy(rows_v, out_hbm.at[pl.ds(wid * BPW, BPW)])


def _mm_body(g_ref, w_ref, o_ref):
    o_ref[...] = jnp.dot(g_ref[...], w_ref[0],
                         preferred_element_type=jnp.float32)


def _matmul_stage(gathered, Wb):
    g128 = gathered.reshape(TOT // 4, 4 * C)
    msg128 = pl.pallas_call(
        _mm_body,
        grid=(K,),
        in_specs=[pl.BlockSpec((E_PAD // 4, 4 * C), lambda k: (k, 0)),
                  pl.BlockSpec((1, 4 * C, 4 * C), lambda k: (k, 0, 0))],
        out_specs=pl.BlockSpec((E_PAD // 4, 4 * C), lambda k: (k, 0)),
        out_shape=jax.ShapeDtypeStruct((TOT // 4, 4 * C), jnp.float32),
    )(g128, Wb)
    return msg128.reshape(TOT, C)


@functools.partial(
    pl.kernel,
    out_type=jax.ShapeDtypeStruct((N_OUT, C), jnp.float32),
    mesh=_mesh,
    scratch_types=[
        pltpu.VMEM_SHARED((SHH, C), jnp.float32),
        pltpu.VMEM((NBLK2, IBLK), jnp.int32),
        pltpu.VMEM((R, C), jnp.float32),
        pltpu.VMEM((ZB, C), jnp.float32),
        pltpu.SemaphoreType.DMA,
    ],
    compiler_params=_sc_params,
)
def _scatter_stage(msg_hbm, idx_hbm, part_hbm, acc_sh, idx_v, rows_v,
                   zb_v, sem):
    cid = lax.axis_index("c")
    sid = lax.axis_index("s")
    lo = cid * OWN

    @pl.loop(0, ZB)
    def _zrow(i):
        zb_v[i, pl.ds(0, 16)] = jnp.zeros((16,), jnp.float32)
        zb_v[i, pl.ds(16, 16)] = jnp.zeros((16,), jnp.float32)

    @pl.loop(0, ZROWS // ZB)
    def _zfire(z):
        pltpu.async_copy(zb_v, acc_sh.at[pl.ds(sid * ZROWS + z * ZB, ZB)],
                         sem)

    @pl.loop(0, ZROWS // ZB)
    def _zdrain(z):
        pltpu.make_async_copy(zb_v,
                              acc_sh.at[pl.ds(sid * ZROWS + z * ZB, ZB)],
                              sem).wait()

    plsc.subcore_barrier()

    @pl.loop(0, CH)
    def _chunk(q):
        pltpu.sync_copy(idx_hbm.at[sid, q], idx_v)
        pltpu.sync_copy(msg_hbm.at[pl.ds(sid * (CH * R) + q * R, R)], rows_v)

        @pl.loop(0, NBLK2)
        def _route(j):
            @pl.loop(0, IBLK // 16)
            def _vec(t):
                v = idx_v[j, pl.ds(t * 16, 16)]
                owned = (v >= lo) & (v < lo + OWN)
                dummy = OWN + (v & 511)
                idx_v[j, pl.ds(t * 16, 16)] = jnp.where(owned, v - lo, dummy)

        @pl.loop(0, NBLK2)
        def _sfire(j):
            pltpu.async_copy(rows_v.at[pl.ds(j * IBLK, IBLK)],
                             acc_sh.at[idx_v.at[j]], sem, add=True)

        @pl.loop(0, NBLK2)
        def _sdrain(j):
            pltpu.make_async_copy(rows_v.at[pl.ds(j * IBLK, IBLK)],
                                  acc_sh.at[idx_v.at[j]], sem).wait()

    plsc.subcore_barrier()

    @pl.when(sid < NS - 1)
    def _wb_full():
        pltpu.sync_copy(acc_sh.at[pl.ds(sid * ZROWS, ZROWS)],
                        part_hbm.at[pl.ds(cid * OWN + sid * ZROWS, ZROWS)])

    @pl.when(sid == NS - 1)
    def _wb_tail():
        pltpu.sync_copy(acc_sh.at[pl.ds(sid * ZROWS, OWN - (NS - 1) * ZROWS)],
                        part_hbm.at[pl.ds(cid * OWN + sid * ZROWS,
                                          OWN - (NS - 1) * ZROWS)])


def kernel(feats, in_indices, out_indices, W):
    pad = E_PAD - E
    gpad = (jnp.arange(pad, dtype=jnp.int32) * 37) % N_IN
    spad = (1 << 20) + (jnp.arange(pad, dtype=jnp.int32) % 512)
    in_p = jnp.concatenate(
        [in_indices, jnp.broadcast_to(gpad, (K, pad))], axis=1)
    out_p = jnp.concatenate(
        [out_indices, jnp.broadcast_to(spad, (K, pad))], axis=1)
    in_arr = in_p.reshape(NW, NBLK, IBLK)
    out_arr = out_p.reshape(NS, CH, NBLK2, IBLK)

    Wb = jnp.einsum('ij,kab->kiajb', jnp.eye(4, dtype=W.dtype),
                    W).reshape(K, 4 * C, 4 * C)

    gathered = _gather_stage(feats, in_arr)
    msg = _matmul_stage(gathered, Wb)
    return _scatter_stage(msg, out_arr)

# --- scband reference (transcript-rebuilt; emitter-appended) ---
"""Pipeline reference for scband-conv-31868657336336 (READ-ONLY COPY).

The authoritative reference and input builder live on the scoring server;
editing this copy changes nothing except your own understanding.
"""

import jax, jax.numpy as jnp
import numpy as np

N_IN = 100000
N_OUT = 50000
K = 8
E = 12500
C = 32

def setup_inputs(seed: int = 0) -> dict:
    key = jax.random.key(seed)
    k1, k2, k3, k4 = jax.random.split(key, 4)
    feats = jax.random.normal(k1, (N_IN, C), dtype=jnp.float32)
    in_indices = jax.random.randint(k2, (K, E), 0, N_IN, dtype=jnp.int32)
    out_indices = jax.random.randint(k3, (K, E), 0, N_OUT, dtype=jnp.int32)
    # learned sparse-conv weight: one C_in x C_out matrix per kernel offset
    W = jax.random.normal(k4, (K, C, C), dtype=jnp.float32) * (1.0 / np.sqrt(C * K))
    return {"feats": feats, "in_indices": in_indices, "out_indices": out_indices, "W": W}

def reference(feats, in_indices, out_indices, W):
    # Faithful gather -> per-offset matmul -> scatter-add formulation of
    # torchsparse spnn.Conv3d(32, 32, kernel_size=2, stride=2) given precomputed kernel maps.
    out = jnp.zeros((N_OUT, C), dtype=feats.dtype)
    for k in range(K):
        gathered = jnp.take(feats, in_indices[k], axis=0)   # [E, C] gather
        msg = gathered @ W[k]                                # [E, C] per-offset GEMM
        out = out.at[out_indices[k]].add(msg)                # scatter-add to output voxels
    return out

if __name__ == "__main__":
    import jax
    _d = setup_inputs()
    print(jax.jit(kernel)(*tuple(_d.values())))

</pallas_src>

<mosaic_0001>
#map = affine_map<(d0, d1) -> (0, 0)>
#map1 = affine_map<(d0, d1) -> (0, 0, 0, 0)>
module attributes {stable_mosaic.version = 14 : i64} {
  func.func @_scatter_stage(%arg0: i32, %arg1: i32, %arg2: memref<102400x32xf32, #tpu.memory_space<hbm>>, %arg3: memref<16x5x10x128xi32, #tpu.memory_space<hbm>>, %arg4: memref<50000x32xf32, #tpu.memory_space<hbm>>, %arg5: memref<25600x32xf32, #tpu.memory_space<vmem_shared>>, %arg6: memref<10x128xi32, #tpu.memory_space<vmem>>, %arg7: memref<1280x32xf32, #tpu.memory_space<vmem>>, %arg8: memref<160x32xf32, #tpu.memory_space<vmem>>, %arg9: memref<!tpu.dma_semaphore, #tpu.memory_space<semaphore_mem>>) attributes {dimension_semantics = [#tpu.dimension_semantics<core_parallel>, #tpu.dimension_semantics<subcore_parallel>], iteration_bounds = array<i64: 2, 16>, scalar_prefetch = 0 : i64, scratch_operands = 5 : i64, tpu.core_type = #tpu.core_type<sc_vector_subcore>, window_params = [{transform_indices = #map}, {transform_indices = #map1}, {transform_indices = #map}]} {
    %mul3A = arith.constant 25000 : i32
    %mul3A_0 = arith.muli %arg0, %mul3A : i32
    %scan3A = arith.constant 0 : i32
    %scan3A_1 = arith.constant 160 : i32
    %scan3A_2 = arith.addi %scan3A, %scan3A_1 : i32
    %scan3A_3 = arith.constant 1 : i32
    scf.for %scan3A_27 = %scan3A to %scan3A_2 step %scan3A_3  : i32 {
      %mul3A_28 = arith.constant 1 : i32
      %mul3A_29 = arith.muli %scan3A_27, %mul3A_28 : i32
      %add3A = arith.constant 0 : i32
      %add3A_30 = arith.addi %add3A, %mul3A_29 : i32
      %broadcast_in_dim3A = arith.constant 0.000000e+00 : f32
      %broadcast_in_dim3A_31 = vector.broadcast %broadcast_in_dim3A : f32 to vector<16xf32>
      %swap3A = arith.index_cast %add3A_30 : i32 to index
      %swap3A_32 = arith.constant 0 : index
      %swap3A_33 = tpu.vector_load %arg8[%swap3A, %swap3A_32] {strides = array<i32>} : memref<160x32xf32, #tpu.memory_space<vmem>>, vector<1x16xf32>,
      %swap3A_34 = vector.shape_cast %swap3A_33 : vector<1x16xf32> to vector<16xf32>
      %swap3A_35 = vector.shape_cast %broadcast_in_dim3A_31 : vector<16xf32> to vector<1x16xf32>
      tpu.vector_store %arg8[%swap3A, %swap3A_32], %swap3A_35 {strides = array<i32>} : memref<160x32xf32, #tpu.memory_space<vmem>>, vector<1x16xf32>,
      %broadcast_in_dim3A_36 = arith.constant 0.000000e+00 : f32
      %broadcast_in_dim3A_37 = vector.broadcast %broadcast_in_dim3A_36 : f32 to vector<16xf32>
      %swap3A_38 = arith.index_cast %add3A_30 : i32 to index
      %swap3A_39 = arith.constant 16 : index
      %swap3A_40 = tpu.vector_load %arg8[%swap3A_38, %swap3A_39] {strides = array<i32>} : memref<160x32xf32, #tpu.memory_space<vmem>>, vector<1x16xf32>,
      %swap3A_41 = vector.shape_cast %swap3A_40 : vector<1x16xf32> to vector<16xf32>
      %swap3A_42 = vector.shape_cast %broadcast_in_dim3A_37 : vector<16xf32> to vector<1x16xf32>
      tpu.vector_store %arg8[%swap3A_38, %swap3A_39], %swap3A_42 {strides = array<i32>} : memref<160x32xf32, #tpu.memory_space<vmem>>, vector<1x16xf32>,
    }
    %scan3A_4 = arith.constant 160 : i32
    %scan3A_5 = arith.constant 0 : i32
    %scan3A_6 = arith.constant 10 : i32
    %scan3A_7 = arith.addi %scan3A_5, %scan3A_6 : i32
    %scan3A_8 = arith.constant 1 : i32
    scf.for %scan3A_27 = %scan3A_5 to %scan3A_7 step %scan3A_8  : i32 {
      %mul3A_28 = arith.constant 1 : i32
      %mul3A_29 = arith.muli %scan3A_27, %mul3A_28 : i32
      %add3A = arith.constant 0 : i32
      %add3A_30 = arith.addi %add3A, %mul3A_29 : i32
      %mul3A_31 = arith.constant 1600 : i32
      %mul3A_32 = arith.muli %arg1, %mul3A_31 : i32
      %mul3A_33 = arith.constant 160 : i32
      %mul3A_34 = arith.muli %add3A_30, %mul3A_33 : i32
      %add3A_35 = arith.addi %mul3A_32, %mul3A_34 : i32
      %dma_start3A = arith.constant 0 : i32
      %dma_start3A_36 = tpu.memref_slice %arg5[%add3A_35, %dma_start3A] : memref<25600x32xf32, #tpu.memory_space<vmem_shared>> -> memref<160x32xf32, #tpu.memory_space<vmem_shared>>
      %dma_start3A_37 = arith.constant 0 : i32
      %dma_start3A_38 = tpu.memref_slice %arg5[%add3A_35, %dma_start3A_37] : memref<25600x32xf32, #tpu.memory_space<vmem_shared>> -> memref<160x32xf32, #tpu.memory_space<vmem_shared>>
      tpu.enqueue_dma source(%arg8 : memref<160x32xf32, #tpu.memory_space<vmem>>) target(%dma_start3A_38 : memref<160x32xf32, #tpu.memory_space<vmem_shared>>) target_semaphore(%arg9 : memref<!tpu.dma_semaphore, #tpu.memory_space<semaphore_mem>>)
    }
    %scan3A_9 = arith.constant 10 : i32
    %scan3A_10 = arith.constant 0 : i32
    %scan3A_11 = arith.constant 10 : i32
    %scan3A_12 = arith.addi %scan3A_10, %scan3A_11 : i32
    %scan3A_13 = arith.constant 1 : i32
    scf.for %scan3A_27 = %scan3A_10 to %scan3A_12 step %scan3A_13  : i32 {
      %mul3A_28 = arith.constant 1 : i32
      %mul3A_29 = arith.muli %scan3A_27, %mul3A_28 : i32
      %add3A = arith.constant 0 : i32
      %add3A_30 = arith.addi %add3A, %mul3A_29 : i32
      %mul3A_31 = arith.constant 1600 : i32
      %mul3A_32 = arith.muli %arg1, %mul3A_31 : i32
      %mul3A_33 = arith.constant 160 : i32
      %mul3A_34 = arith.muli %add3A_30, %mul3A_33 : i32
      %add3A_35 = arith.addi %mul3A_32, %mul3A_34 : i32
      %dma_wait3A = arith.constant 0 : i32
      %dma_wait3A_36 = tpu.memref_slice %arg5[%add3A_35, %dma_wait3A] : memref<25600x32xf32, #tpu.memory_space<vmem_shared>> -> memref<160x32xf32, #tpu.memory_space<vmem_shared>>
      %dma_wait3A_37 = arith.constant 0 : i32
      %dma_wait3A_38 = tpu.memref_slice %arg5[%add3A_35, %dma_wait3A_37] : memref<25600x32xf32, #tpu.memory_space<vmem_shared>> -> memref<160x32xf32, #tpu.memory_space<vmem_shared>>
      tpu.wait_dma2 semaphore(%arg9 : memref<!tpu.dma_semaphore, #tpu.memory_space<semaphore_mem>>) src(%arg8 : memref<160x32xf32, #tpu.memory_space<vmem>>) dst(%dma_wait3A_38 : memref<160x32xf32, #tpu.memory_space<vmem_shared>>)
    }
    %scan3A_14 = arith.constant 10 : i32
    %barrier3A = arith.constant 0 : index
    tpu.barrier barrier_id(%barrier3A)
    %scan3A_15 = arith.constant 0 : i32
    %scan3A_16 = arith.constant 5 : i32
    %scan3A_17 = arith.addi %scan3A_15, %scan3A_16 : i32
    %scan3A_18 = arith.constant 1 : i32
    scf.for %scan3A_27 = %scan3A_15 to %scan3A_17 step %scan3A_18  : i32 {
      %mul3A_28 = arith.constant 1 : i32
      %mul3A_29 = arith.muli %scan3A_27, %mul3A_28 : i32
      %add3A = arith.constant 0 : i32
      %add3A_30 = arith.addi %add3A, %mul3A_29 : i32
      "tpu.region"() ({
        %run_scoped3A = tpu.sem_alloc : memref<!tpu.dma_semaphore, #tpu.memory_space<semaphore_mem>>
        %dma_start3A = arith.constant 0 : i32
        %dma_start3A_51 = arith.constant 0 : i32
        %dma_start3A_52 = tpu.memref_slice %arg3[%arg1, %add3A_30, %dma_start3A, %dma_start3A_51] : memref<16x5x10x128xi32, #tpu.memory_space<hbm>> -> memref<1x1x10x128xi32, #tpu.memory_space<hbm>>
        %dma_start3A_53 = tpu.memref_squeeze %dma_start3A_52 : memref<1x1x10x128xi32, #tpu.memory_space<hbm>> -> memref<10x128xi32, #tpu.memory_space<hbm>>
        %dma_start3A_54 = arith.constant 0 : i32
        %dma_start3A_55 = arith.constant 0 : i32
        %dma_start3A_56 = tpu.memref_slice %arg3[%arg1, %add3A_30, %dma_start3A_54, %dma_start3A_55] : memref<16x5x10x128xi32, #tpu.memory_space<hbm>> -> memref<1x1x10x128xi32, #tpu.memory_space<hbm>>
        %dma_start3A_57 = tpu.memref_squeeze %dma_start3A_56 : memref<1x1x10x128xi32, #tpu.memory_space<hbm>> -> memref<10x128xi32, #tpu.memory_space<hbm>>
        tpu.enqueue_dma source(%dma_start3A_57 : memref<10x128xi32, #tpu.memory_space<hbm>>) target(%arg6 : memref<10x128xi32, #tpu.memory_space<vmem>>) target_semaphore(%run_scoped3A : memref<!tpu.dma_semaphore, #tpu.memory_space<semaphore_mem>>)
        %dma_wait3A = arith.constant 0 : i32
        %dma_wait3A_58 = arith.constant 0 : i32
        %dma_wait3A_59 = tpu.memref_slice %arg3[%arg1, %add3A_30, %dma_wait3A, %dma_wait3A_58] : memref<16x5x10x128xi32, #tpu.memory_space<hbm>> -> memref<1x1x10x128xi32, #tpu.memory_space<hbm>>
        %dma_wait3A_60 = tpu.memref_squeeze %dma_wait3A_59 : memref<1x1x10x128xi32, #tpu.memory_space<hbm>> -> memref<10x128xi32, #tpu.memory_space<hbm>>
        %dma_wait3A_61 = arith.constant 0 : i32
        %dma_wait3A_62 = arith.constant 0 : i32
        %dma_wait3A_63 = tpu.memref_slice %arg3[%arg1, %add3A_30, %dma_wait3A_61, %dma_wait3A_62] : memref<16x5x10x128xi32, #tpu.memory_space<hbm>> -> memref<1x1x10x128xi32, #tpu.memory_space<hbm>>
        %dma_wait3A_64 = tpu.memref_squeeze %dma_wait3A_63 : memref<1x1x10x128xi32, #tpu.memory_space<hbm>> -> memref<10x128xi32, #tpu.memory_space<hbm>>
        tpu.wait_dma2 semaphore(%run_scoped3A : memref<!tpu.dma_semaphore, #tpu.memory_space<semaphore_mem>>) src(%dma_wait3A_64 : memref<10x128xi32, #tpu.memory_space<hbm>>) dst(%arg6 : memref<10x128xi32, #tpu.memory_space<vmem>>)
        tpu.yield
      }) : () -> ()
      %mul3A_31 = arith.constant 6400 : i32
      %mul3A_32 = arith.muli %arg1, %mul3A_31 : i32
      %mul3A_33 = arith.constant 1280 : i32
      %mul3A_34 = arith.muli %add3A_30, %mul3A_33 : i32
      %add3A_35 = arith.addi %mul3A_32, %mul3A_34 : i32
      "tpu.region"() ({
        %run_scoped3A = tpu.sem_alloc : memref<!tpu.dma_semaphore, #tpu.memory_space<semaphore_mem>>
        %dma_start3A = arith.constant 0 : i32
        %dma_start3A_51 = tpu.memref_slice %arg2[%add3A_35, %dma_start3A] : memref<102400x32xf32, #tpu.memory_space<hbm>> -> memref<1280x32xf32, #tpu.memory_space<hbm>>
        %dma_start3A_52 = arith.constant 0 : i32
        %dma_start3A_53 = tpu.memref_slice %arg2[%add3A_35, %dma_start3A_52] : memref<102400x32xf32, #tpu.memory_space<hbm>> -> memref<1280x32xf32, #tpu.memory_space<hbm>>
        tpu.enqueue_dma source(%dma_start3A_53 : memref<1280x32xf32, #tpu.memory_space<hbm>>) target(%arg7 : memref<1280x32xf32, #tpu.memory_space<vmem>>) target_semaphore(%run_scoped3A : memref<!tpu.dma_semaphore, #tpu.memory_space<semaphore_mem>>)
        %dma_wait3A = arith.constant 0 : i32
        %dma_wait3A_54 = tpu.memref_slice %arg2[%add3A_35, %dma_wait3A] : memref<102400x32xf32, #tpu.memory_space<hbm>> -> memref<1280x32xf32, #tpu.memory_space<hbm>>
        %dma_wait3A_55 = arith.constant 0 : i32
        %dma_wait3A_56 = tpu.memref_slice %arg2[%add3A_35, %dma_wait3A_55] : memref<102400x32xf32, #tpu.memory_space<hbm>> -> memref<1280x32xf32, #tpu.memory_space<hbm>>
        tpu.wait_dma2 semaphore(%run_scoped3A : memref<!tpu.dma_semaphore, #tpu.memory_space<semaphore_mem>>) src(%dma_wait3A_56 : memref<1280x32xf32, #tpu.memory_space<hbm>>) dst(%arg7 : memref<1280x32xf32, #tpu.memory_space<vmem>>)
        tpu.yield
      }) : () -> ()
      %scan3A_36 = arith.constant 0 : i32
      %scan3A_37 = arith.constant 10 : i32
      %scan3A_38 = arith.addi %scan3A_36, %scan3A_37 : i32
      %scan3A_39 = arith.constant 1 : i32
      scf.for %scan3A_51 = %scan3A_36 to %scan3A_38 step %scan3A_39  : i32 {
        %mul3A_52 = arith.constant 1 : i32
        %mul3A_53 = arith.muli %scan3A_51, %mul3A_52 : i32
        %add3A_54 = arith.constant 0 : i32
        %add3A_55 = arith.addi %add3A_54, %mul3A_53 : i32
        %scan3A_56 = arith.constant 0 : i32
        %scan3A_57 = arith.constant 8 : i32
        %scan3A_58 = arith.addi %scan3A_56, %scan3A_57 : i32
        %scan3A_59 = arith.constant 1 : i32
        scf.for %scan3A_61 = %scan3A_56 to %scan3A_58 step %scan3A_59  : i32 {
          %mul3A_62 = arith.constant 1 : i32
          %mul3A_63 = arith.muli %scan3A_61, %mul3A_62 : i32
          %add3A_64 = arith.constant 0 : i32
          %add3A_65 = arith.addi %add3A_64, %mul3A_63 : i32
          %mul3A_66 = arith.constant 16 : i32
          %mul3A_67 = arith.muli %add3A_65, %mul3A_66 : i32
          %get3A = arith.index_cast %add3A_55 : i32 to index
          %get3A_68 = arith.index_cast %mul3A_67 : i32 to index
          %get3A_69 = tpu.vector_load %arg6[%get3A, %get3A_68] {strides = array<i32>} : memref<10x128xi32, #tpu.memory_space<vmem>>, vector<1x16xi32>,
          %get3A_70 = vector.shape_cast %get3A_69 : vector<1x16xi32> to vector<16xi32>
          %ge3A = vector.broadcast %mul3A_0 : i32 to vector<16xi32>
          %ge3A_71 = arith.cmpi sge, %get3A_70, %ge3A : vector<16xi32>
          %add3A_72 = arith.constant 25000 : i32
          %add3A_73 = arith.addi %mul3A_0, %add3A_72 : i32
          %lt3A_74 = vector.broadcast %add3A_73 : i32 to vector<16xi32>
          %lt3A_75 = arith.cmpi slt, %get3A_70, %lt3A_74 : vector<16xi32>
          %and3A = arith.andi %ge3A_71, %lt3A_75 : vector<16xi1>
          %and3A_76 = arith.constant 511 : i32
          %and3A_77 = vector.broadcast %and3A_76 : i32 to vector<16xi32>
          %and3A_78 = arith.andi %get3A_70, %and3A_77 : vector<16xi32>
          %add3A_79 = arith.constant 25000 : i32
          %add3A_80 = vector.broadcast %add3A_79 : i32 to vector<16xi32>
          %add3A_81 = arith.addi %add3A_80, %and3A_78 : vector<16xi32>
          %sub3A = vector.broadcast %mul3A_0 : i32 to vector<16xi32>
          %sub3A_82 = arith.subi %get3A_70, %sub3A : vector<16xi32>
          %select_n3A = arith.select %and3A, %sub3A_82, %add3A_81 : vector<16xi1>, vector<16xi32>
          %mul3A_83 = arith.constant 16 : i32
          %mul3A_84 = arith.muli %add3A_65, %mul3A_83 : i32
          %swap3A = arith.index_cast %add3A_55 : i32 to index
          %swap3A_85 = arith.index_cast %mul3A_84 : i32 to index
          %swap3A_86 = tpu.vector_load %arg6[%swap3A, %swap3A_85] {strides = array<i32>} : memref<10x128xi32, #tpu.memory_space<vmem>>, vector<1x16xi32>,
          %swap3A_87 = vector.shape_cast %swap3A_86 : vector<1x16xi32> to vector<16xi32>
          %swap3A_88 = vector.shape_cast %select_n3A : vector<16xi32> to vector<1x16xi32>
          tpu.vector_store %arg6[%swap3A, %swap3A_85], %swap3A_88 {strides = array<i32>} : memref<10x128xi32, #tpu.memory_space<vmem>>, vector<1x16xi32>,
        }
        %scan3A_60 = arith.constant 8 : i32
      }
      %scan3A_40 = arith.constant 10 : i32
      %scan3A_41 = arith.constant 0 : i32
      %scan3A_42 = arith.constant 10 : i32
      %scan3A_43 = arith.addi %scan3A_41, %scan3A_42 : i32
      %scan3A_44 = arith.constant 1 : i32
      scf.for %scan3A_51 = %scan3A_41 to %scan3A_43 step %scan3A_44  : i32 {
        %mul3A_52 = arith.constant 1 : i32
        %mul3A_53 = arith.muli %scan3A_51, %mul3A_52 : i32
        %add3A_54 = arith.constant 0 : i32
        %add3A_55 = arith.addi %add3A_54, %mul3A_53 : i32
        %mul3A_56 = arith.constant 128 : i32
        %mul3A_57 = arith.muli %add3A_55, %mul3A_56 : i32
        %dma_start3A = arith.constant 0 : i32
        %dma_start3A_58 = tpu.memref_slice %arg7[%mul3A_57, %dma_start3A] : memref<1280x32xf32, #tpu.memory_space<vmem>> -> memref<128x32xf32, #tpu.memory_space<vmem>>
        %dma_start3A_59 = arith.constant 0 : i32
        %dma_start3A_60 = tpu.memref_slice %arg6[%add3A_55, %dma_start3A_59] : memref<10x128xi32, #tpu.memory_space<vmem>> -> memref<1x128xi32, #tpu.memory_space<vmem>>
        %dma_start3A_61 = tpu.memref_squeeze %dma_start3A_60 : memref<1x128xi32, #tpu.memory_space<vmem>> -> memref<128xi32, #tpu.memory_space<vmem>>
        %dma_start3A_62 = arith.constant 0 : i32
        %dma_start3A_63 = arith.constant 0 : i32
        %dma_start3A_64 = tpu.memref_slice %arg5[%dma_start3A_62, %dma_start3A_63] : memref<25600x32xf32, #tpu.memory_space<vmem_shared>> -> memref<25600x32xf32, #tpu.memory_space<vmem_shared>>
        tpu.enqueue_indirect_dma source(%dma_start3A_58 : memref<128x32xf32, #tpu.memory_space<vmem>>) target(%dma_start3A_64 : memref<25600x32xf32, #tpu.memory_space<vmem_shared>>) offsets(%dma_start3A_61 : memref<128xi32, #tpu.memory_space<vmem>>) semaphore(%arg9 : memref<!tpu.dma_semaphore, #tpu.memory_space<semaphore_mem>>) {add = true}
      }
      %scan3A_45 = arith.constant 10 : i32
      %scan3A_46 = arith.constant 0 : i32
      %scan3A_47 = arith.constant 10 : i32
      %scan3A_48 = arith.addi %scan3A_46, %scan3A_47 : i32
      %scan3A_49 = arith.constant 1 : i32
      scf.for %scan3A_51 = %scan3A_46 to %scan3A_48 step %scan3A_49  : i32 {
        %mul3A_52 = arith.constant 1 : i32
        %mul3A_53 = arith.muli %scan3A_51, %mul3A_52 : i32
        %add3A_54 = arith.constant 0 : i32
        %add3A_55 = arith.addi %add3A_54, %mul3A_53 : i32
        %mul3A_56 = arith.constant 128 : i32
        %mul3A_57 = arith.muli %add3A_55, %mul3A_56 : i32
        %dma_wait3A = arith.constant 0 : i32
        %dma_wait3A_58 = tpu.memref_slice %arg7[%mul3A_57, %dma_wait3A] : memref<1280x32xf32, #tpu.memory_space<vmem>> -> memref<128x32xf32, #tpu.memory_space<vmem>>
        %dma_wait3A_59 = arith.constant 0 : i32
        %dma_wait3A_60 = tpu.memref_slice %arg6[%add3A_55, %dma_wait3A_59] : memref<10x128xi32, #tpu.memory_space<vmem>> -> memref<1x128xi32, #tpu.memory_space<vmem>>
        %dma_wait3A_61 = tpu.memref_squeeze %dma_wait3A_60 : memref<1x128xi32, #tpu.memory_space<vmem>> -> memref<128xi32, #tpu.memory_space<vmem>>
        %dma_wait3A_62 = arith.constant 0 : i32
        %dma_wait3A_63 = arith.constant 0 : i32
        %dma_wait3A_64 = tpu.memref_slice %arg5[%dma_wait3A_62, %dma_wait3A_63] : memref<25600x32xf32, #tpu.memory_space<vmem_shared>> -> memref<25600x32xf32, #tpu.memory_space<vmem_shared>>
        tpu.wait_indirect_dma semaphore(%arg9 : memref<!tpu.dma_semaphore, #tpu.memory_space<semaphore_mem>>) src(%dma_wait3A_58 : memref<128x32xf32, #tpu.memory_space<vmem>>) dst(%dma_wait3A_64 : memref<25600x32xf32, #tpu.memory_space<vmem_shared>>)
      }
      %scan3A_50 = arith.constant 10 : i32
    }
    %scan3A_19 = arith.constant 5 : i32
    %barrier3A_20 = arith.constant 0 : index
    tpu.barrier barrier_id(%barrier3A_20)
    %lt3A = arith.constant 15 : i32
    %lt3A_21 = arith.cmpi slt, %arg1, %lt3A : i32
    %convert_element_type3A = arith.extui %lt3A_21 : i1 to i32
    %cond3A = arith.constant 0 : i32
    %cond3A_22 = arith.cmpi ne, %convert_element_type3A, %cond3A : i32
    scf.if %cond3A_22 {
      %mul3A_27 = arith.constant 1600 : i32
      %mul3A_28 = arith.muli %arg1, %mul3A_27 : i32
      %mul3A_29 = arith.constant 25000 : i32
      %mul3A_30 = arith.muli %arg0, %mul3A_29 : i32
      %mul3A_31 = arith.constant 1600 : i32
      %mul3A_32 = arith.muli %arg1, %mul3A_31 : i32
      %add3A = arith.addi %mul3A_30, %mul3A_32 : i32
      "tpu.region"() ({
        %run_scoped3A = tpu.sem_alloc : memref<!tpu.dma_semaphore, #tpu.memory_space<semaphore_mem>>
        %dma_start3A = arith.constant 0 : i32
        %dma_start3A_33 = tpu.memref_slice %arg4[%add3A, %dma_start3A] : memref<50000x32xf32, #tpu.memory_space<hbm>> -> memref<1600x32xf32, #tpu.memory_space<hbm>>
        %dma_start3A_34 = arith.constant 0 : i32
        %dma_start3A_35 = tpu.memref_slice %arg5[%mul3A_28, %dma_start3A_34] : memref<25600x32xf32, #tpu.memory_space<vmem_shared>> -> memref<1600x32xf32, #tpu.memory_space<vmem_shared>>
        tpu.enqueue_dma source(%dma_start3A_35 : memref<1600x32xf32, #tpu.memory_space<vmem_shared>>) target(%dma_start3A_33 : memref<1600x32xf32, #tpu.memory_space<hbm>>) target_semaphore(%run_scoped3A : memref<!tpu.dma_semaphore, #tpu.memory_space<semaphore_mem>>)
        %dma_wait3A = arith.constant 0 : i32
        %dma_wait3A_36 = tpu.memref_slice %arg4[%add3A, %dma_wait3A] : memref<50000x32xf32, #tpu.memory_space<hbm>> -> memref<1600x32xf32, #tpu.memory_space<hbm>>
        %dma_wait3A_37 = arith.constant 0 : i32
        %dma_wait3A_38 = tpu.memref_slice %arg5[%mul3A_28, %dma_wait3A_37] : memref<25600x32xf32, #tpu.memory_space<vmem_shared>> -> memref<1600x32xf32, #tpu.memory_space<vmem_shared>>
        tpu.wait_dma2 semaphore(%run_scoped3A : memref<!tpu.dma_semaphore, #tpu.memory_space<semaphore_mem>>) src(%dma_wait3A_38 : memref<1600x32xf32, #tpu.memory_space<vmem_shared>>) dst(%dma_wait3A_36 : memref<1600x32xf32, #tpu.memory_space<hbm>>)
        tpu.yield
      }) : () -> ()
    } else {
    }
    %eq3A = arith.constant 15 : i32
    %eq3A_23 = arith.cmpi eq, %arg1, %eq3A : i32
    %convert_element_type3A_24 = arith.extui %eq3A_23 : i1 to i32
    %cond3A_25 = arith.constant 0 : i32
    %cond3A_26 = arith.cmpi ne, %convert_element_type3A_24, %cond3A_25 : i32
    scf.if %cond3A_26 {
      %mul3A_27 = arith.constant 1600 : i32
      %mul3A_28 = arith.muli %arg1, %mul3A_27 : i32
      %mul3A_29 = arith.constant 25000 : i32
      %mul3A_30 = arith.muli %arg0, %mul3A_29 : i32
      %mul3A_31 = arith.constant 1600 : i32
      %mul3A_32 = arith.muli %arg1, %mul3A_31 : i32
      %add3A = arith.addi %mul3A_30, %mul3A_32 : i32
      "tpu.region"() ({
        %run_scoped3A = tpu.sem_alloc : memref<!tpu.dma_semaphore, #tpu.memory_space<semaphore_mem>>
        %dma_start3A = arith.constant 0 : i32
        %dma_start3A_33 = tpu.memref_slice %arg4[%add3A, %dma_start3A] : memref<50000x32xf32, #tpu.memory_space<hbm>> -> memref<1000x32xf32, #tpu.memory_space<hbm>>
        %dma_start3A_34 = arith.constant 0 : i32
        %dma_start3A_35 = tpu.memref_slice %arg5[%mul3A_28, %dma_start3A_34] : memref<25600x32xf32, #tpu.memory_space<vmem_shared>> -> memref<1000x32xf32, #tpu.memory_space<vmem_shared>>
        tpu.enqueue_dma source(%dma_start3A_35 : memref<1000x32xf32, #tpu.memory_space<vmem_shared>>) target(%dma_start3A_33 : memref<1000x32xf32, #tpu.memory_space<hbm>>) target_semaphore(%run_scoped3A : memref<!tpu.dma_semaphore, #tpu.memory_space<semaphore_mem>>)
        %dma_wait3A = arith.constant 0 : i32
        %dma_wait3A_36 = tpu.memref_slice %arg4[%add3A, %dma_wait3A] : memref<50000x32xf32, #tpu.memory_space<hbm>> -> memref<1000x32xf32, #tpu.memory_space<hbm>>
        %dma_wait3A_37 = arith.constant 0 : i32
        %dma_wait3A_38 = tpu.memref_slice %arg5[%mul3A_28, %dma_wait3A_37] : memref<25600x32xf32, #tpu.memory_space<vmem_shared>> -> memref<1000x32xf32, #tpu.memory_space<vmem_shared>>
        tpu.wait_dma2 semaphore(%run_scoped3A : memref<!tpu.dma_semaphore, #tpu.memory_space<semaphore_mem>>) src(%dma_wait3A_38 : memref<1000x32xf32, #tpu.memory_space<vmem_shared>>) dst(%dma_wait3A_36 : memref<1000x32xf32, #tpu.memory_space<hbm>>)
        tpu.yield
      }) : () -> ()
    } else {
    }
    return
  }
}

#map = affine_map<(d0, d1) -> (0, 0)>
#map1 = affine_map<(d0, d1) -> (0, 0, 0)>
module attributes {stable_mosaic.version = 14 : i64} {
  func.func @_gather_stage(%arg0: i32, %arg1: i32, %arg2: memref<100000x32xf32, #tpu.memory_space<hbm>>, %arg3: memref<32x25x128xi32, #tpu.memory_space<hbm>>, %arg4: memref<102400x32xf32, #tpu.memory_space<hbm>>, %arg5: memref<25x128xi32, #tpu.memory_space<vmem>>, %arg6: memref<3200x32xf32, #tpu.memory_space<vmem>>, %arg7: memref<!tpu.dma_semaphore, #tpu.memory_space<semaphore_mem>>) attributes {dimension_semantics = [#tpu.dimension_semantics<core_parallel>, #tpu.dimension_semantics<subcore_parallel>], iteration_bounds = array<i64: 2, 16>, scalar_prefetch = 0 : i64, scratch_operands = 3 : i64, tpu.core_type = #tpu.core_type<sc_vector_subcore>, window_params = [{transform_indices = #map}, {transform_indices = #map1}, {transform_indices = #map}]} {
    %mul3A = arith.constant 2 : i32
    %mul3A_0 = arith.muli %arg1, %mul3A : i32
    %add3A = arith.addi %mul3A_0, %arg0 : i32
    "tpu.region"() ({
      %run_scoped3A = tpu.sem_alloc : memref<!tpu.dma_semaphore, #tpu.memory_space<semaphore_mem>>
      %dma_start3A = arith.constant 0 : i32
      %dma_start3A_12 = arith.constant 0 : i32
      %dma_start3A_13 = tpu.memref_slice %arg3[%add3A, %dma_start3A, %dma_start3A_12] : memref<32x25x128xi32, #tpu.memory_space<hbm>> -> memref<1x25x128xi32, #tpu.memory_space<hbm>>
      %dma_start3A_14 = tpu.memref_squeeze %dma_start3A_13 : memref<1x25x128xi32, #tpu.memory_space<hbm>> -> memref<25x128xi32, #tpu.memory_space<hbm>>
      %dma_start3A_15 = arith.constant 0 : i32
      %dma_start3A_16 = arith.constant 0 : i32
      %dma_start3A_17 = tpu.memref_slice %arg3[%add3A, %dma_start3A_15, %dma_start3A_16] : memref<32x25x128xi32, #tpu.memory_space<hbm>> -> memref<1x25x128xi32, #tpu.memory_space<hbm>>
      %dma_start3A_18 = tpu.memref_squeeze %dma_start3A_17 : memref<1x25x128xi32, #tpu.memory_space<hbm>> -> memref<25x128xi32, #tpu.memory_space<hbm>>
      tpu.enqueue_dma source(%dma_start3A_18 : memref<25x128xi32, #tpu.memory_space<hbm>>) target(%arg5 : memref<25x128xi32, #tpu.memory_space<vmem>>) target_semaphore(%run_scoped3A : memref<!tpu.dma_semaphore, #tpu.memory_space<semaphore_mem>>)
      %dma_wait3A = arith.constant 0 : i32
      %dma_wait3A_19 = arith.constant 0 : i32
      %dma_wait3A_20 = tpu.memref_slice %arg3[%add3A, %dma_wait3A, %dma_wait3A_19] : memref<32x25x128xi32, #tpu.memory_space<hbm>> -> memref<1x25x128xi32, #tpu.memory_space<hbm>>
      %dma_wait3A_21 = tpu.memref_squeeze %dma_wait3A_20 : memref<1x25x128xi32, #tpu.memory_space<hbm>> -> memref<25x128xi32, #tpu.memory_space<hbm>>
      %dma_wait3A_22 = arith.constant 0 : i32
      %dma_wait3A_23 = arith.constant 0 : i32
      %dma_wait3A_24 = tpu.memref_slice %arg3[%add3A, %dma_wait3A_22, %dma_wait3A_23] : memref<32x25x128xi32, #tpu.memory_space<hbm>> -> memref<1x25x128xi32, #tpu.memory_space<hbm>>
      %dma_wait3A_25 = tpu.memref_squeeze %dma_wait3A_24 : memref<1x25x128xi32, #tpu.memory_space<hbm>> -> memref<25x128xi32, #tpu.memory_space<hbm>>
      tpu.wait_dma2 semaphore(%run_scoped3A : memref<!tpu.dma_semaphore, #tpu.memory_space<semaphore_mem>>) src(%dma_wait3A_25 : memref<25x128xi32, #tpu.memory_space<hbm>>) dst(%arg5 : memref<25x128xi32, #tpu.memory_space<vmem>>)
      tpu.yield
    }) : () -> ()
    %scan3A = arith.constant 0 : i32
    %scan3A_1 = arith.constant 25 : i32
    %scan3A_2 = arith.addi %scan3A, %scan3A_1 : i32
    %scan3A_3 = arith.constant 1 : i32
    scf.for %scan3A_12 = %scan3A to %scan3A_2 step %scan3A_3  : i32 {
      %mul3A_13 = arith.constant 1 : i32
      %mul3A_14 = arith.muli %scan3A_12, %mul3A_13 : i32
      %add3A_15 = arith.constant 0 : i32
      %add3A_16 = arith.addi %add3A_15, %mul3A_14 : i32
      %mul3A_17 = arith.constant 128 : i32
      %mul3A_18 = arith.muli %add3A_16, %mul3A_17 : i32
      %dma_start3A = arith.constant 0 : i32
      %dma_start3A_19 = tpu.memref_slice %arg6[%mul3A_18, %dma_start3A] : memref<3200x32xf32, #tpu.memory_space<vmem>> -> memref<128x32xf32, #tpu.memory_space<vmem>>
      %dma_start3A_20 = arith.constant 0 : i32
      %dma_start3A_21 = tpu.memref_slice %arg5[%add3A_16, %dma_start3A_20] : memref<25x128xi32, #tpu.memory_space<vmem>> -> memref<1x128xi32, #tpu.memory_space<vmem>>
      %dma_start3A_22 = tpu.memref_squeeze %dma_start3A_21 : memref<1x128xi32, #tpu.memory_space<vmem>> -> memref<128xi32, #tpu.memory_space<vmem>>
      %dma_start3A_23 = arith.constant 0 : i32
      %dma_start3A_24 = arith.constant 0 : i32
      %dma_start3A_25 = tpu.memref_slice %arg2[%dma_start3A_23, %dma_start3A_24] : memref<100000x32xf32, #tpu.memory_space<hbm>> -> memref<100000x32xf32, #tpu.memory_space<hbm>>
      tpu.enqueue_indirect_dma source(%dma_start3A_25 : memref<100000x32xf32, #tpu.memory_space<hbm>>) target(%dma_start3A_19 : memref<128x32xf32, #tpu.memory_space<vmem>>) offsets(%dma_start3A_22 : memref<128xi32, #tpu.memory_space<vmem>>) semaphore(%arg7 : memref<!tpu.dma_semaphore, #tpu.memory_space<semaphore_mem>>)
    }
    %scan3A_4 = arith.constant 25 : i32
    %scan3A_5 = arith.constant 0 : i32
    %scan3A_6 = arith.constant 25 : i32
    %scan3A_7 = arith.addi %scan3A_5, %scan3A_6 : i32
    %scan3A_8 = arith.constant 1 : i32
    scf.for %scan3A_12 = %scan3A_5 to %scan3A_7 step %scan3A_8  : i32 {
      %mul3A_13 = arith.constant 1 : i32
      %mul3A_14 = arith.muli %scan3A_12, %mul3A_13 : i32
      %add3A_15 = arith.constant 0 : i32
      %add3A_16 = arith.addi %add3A_15, %mul3A_14 : i32
      %mul3A_17 = arith.constant 128 : i32
      %mul3A_18 = arith.muli %add3A_16, %mul3A_17 : i32
      %dma_wait3A = arith.constant 0 : i32
      %dma_wait3A_19 = tpu.memref_slice %arg6[%mul3A_18, %dma_wait3A] : memref<3200x32xf32, #tpu.memory_space<vmem>> -> memref<128x32xf32, #tpu.memory_space<vmem>>
      %dma_wait3A_20 = arith.constant 0 : i32
      %dma_wait3A_21 = tpu.memref_slice %arg5[%add3A_16, %dma_wait3A_20] : memref<25x128xi32, #tpu.memory_space<vmem>> -> memref<1x128xi32, #tpu.memory_space<vmem>>
      %dma_wait3A_22 = tpu.memref_squeeze %dma_wait3A_21 : memref<1x128xi32, #tpu.memory_space<vmem>> -> memref<128xi32, #tpu.memory_space<vmem>>
      %dma_wait3A_23 = arith.constant 0 : i32
      %dma_wait3A_24 = arith.constant 0 : i32
      %dma_wait3A_25 = tpu.memref_slice %arg2[%dma_wait3A_23, %dma_wait3A_24] : memref<100000x32xf32, #tpu.memory_space<hbm>> -> memref<100000x32xf32, #tpu.memory_space<hbm>>
      tpu.wait_indirect_dma semaphore(%arg7 : memref<!tpu.dma_semaphore, #tpu.memory_space<semaphore_mem>>) src(%dma_wait3A_25 : memref<100000x32xf32, #tpu.memory_space<hbm>>) dst(%dma_wait3A_19 : memref<128x32xf32, #tpu.memory_space<vmem>>)
    }
    %scan3A_9 = arith.constant 25 : i32
    %mul3A_10 = arith.constant 3200 : i32
    %mul3A_11 = arith.muli %add3A, %mul3A_10 : i32
    "tpu.region"() ({
      %run_scoped3A = tpu.sem_alloc : memref<!tpu.dma_semaphore, #tpu.memory_space<semaphore_mem>>
      %dma_start3A = arith.constant 0 : i32
      %dma_start3A_12 = tpu.memref_slice %arg4[%mul3A_11, %dma_start3A] : memref<102400x32xf32, #tpu.memory_space<hbm>> -> memref<3200x32xf32, #tpu.memory_space<hbm>>
      %dma_start3A_13 = arith.constant 0 : i32
      %dma_start3A_14 = tpu.memref_slice %arg4[%mul3A_11, %dma_start3A_13] : memref<102400x32xf32, #tpu.memory_space<hbm>> -> memref<3200x32xf32, #tpu.memory_space<hbm>>
      tpu.enqueue_dma source(%arg6 : memref<3200x32xf32, #tpu.memory_space<vmem>>) target(%dma_start3A_14 : memref<3200x32xf32, #tpu.memory_space<hbm>>) target_semaphore(%run_scoped3A : memref<!tpu.dma_semaphore, #tpu.memory_space<semaphore_mem>>)
      %dma_wait3A = arith.constant 0 : i32
      %dma_wait3A_15 = tpu.memref_slice %arg4[%mul3A_11, %dma_wait3A] : memref<102400x32xf32, #tpu.memory_space<hbm>> -> memref<3200x32xf32, #tpu.memory_space<hbm>>
      %dma_wait3A_16 = arith.constant 0 : i32
      %dma_wait3A_17 = tpu.memref_slice %arg4[%mul3A_11, %dma_wait3A_16] : memref<102400x32xf32, #tpu.memory_space<hbm>> -> memref<3200x32xf32, #tpu.memory_space<hbm>>
      tpu.wait_dma2 semaphore(%run_scoped3A : memref<!tpu.dma_semaphore, #tpu.memory_space<semaphore_mem>>) src(%arg6 : memref<3200x32xf32, #tpu.memory_space<vmem>>) dst(%dma_wait3A_17 : memref<3200x32xf32, #tpu.memory_space<hbm>>)
      tpu.yield
    }) : () -> ()
    return
  }
}

module attributes {stable_mosaic.version = 14 : i64} {
  func.func @_mm_body(%arg0: i32, %arg1: memref<3200x128xf32, #tpu.memory_space<vmem>>, %arg2: memref<1x128x128xf32, #tpu.memory_space<vmem>>, %arg3: memref<3200x128xf32, #tpu.memory_space<vmem>>) attributes {dimension_semantics = [#tpu.dimension_semantics<arbitrary>], iteration_bounds = array<i64: 8>, scalar_prefetch = 0 : i64, scratch_operands = 0 : i64, tpu.core_type = #tpu.core_type<tc>, window_params = [{transform_indices = @transform_0, window_bounds = array<i64: 3200, 128>}, {transform_indices = @transform_1, window_bounds = array<i64: 1, 128, 128>}, {transform_indices = @transform_2, window_bounds = array<i64: 3200, 128>}]} {
    %get3A = arith.constant 0 : index
    %get3A_0 = arith.constant 0 : index
    %get3A_1 = vector.load %arg1[%get3A, %get3A_0] : memref<3200x128xf32, #tpu.memory_space<vmem>>, vector<3200x128xf32>
    %get3A_2 = arith.constant 0 : index
    %get3A_3 = arith.constant 0 : index
    %get3A_4 = arith.constant 0 : index
    %get3A_5 = vector.load %arg2[%get3A_2, %get3A_3, %get3A_4] : memref<1x128x128xf32, #tpu.memory_space<vmem>>, vector<1x128x128xf32>
    %get3A_6 = vector.shape_cast %get3A_5 : vector<1x128x128xf32> to vector<128x128xf32>
    %dot_general3A = arith.constant dense<0.000000e+00> : vector<3200x128xf32>
    %dot_general3A_7 = tpu.matmul %get3A_1, %get3A_6, %dot_general3A {dimension_numbers = #tpu.dot_dimension_numbers<[1], [0], [0], [1], [0, 0, 1, 1], [], []>, transpose_lhs_hint = false} : vector<3200x128xf32>, vector<128x128xf32>, vector<3200x128xf32> -> vector<3200x128xf32>
    %swap3A = arith.constant 0 : index
    %swap3A_8 = arith.constant 0 : index
    %swap3A_9 = vector.load %arg3[%swap3A, %swap3A_8] : memref<3200x128xf32, #tpu.memory_space<vmem>>, vector<3200x128xf32>
    tpu.vector_store %arg3[%swap3A, %swap3A_8], %dot_general3A_7 {strides = array<i32>} : memref<3200x128xf32, #tpu.memory_space<vmem>>, vector<3200x128xf32>,
    return
  }
  func.func @transform_0(%arg0: i32) -> (i32, i32) {
    %c0_i32 = arith.constant 0 : i32
    %c0_i32_0 = arith.constant 0 : i32
    return %arg0, %c0_i32 : i32, i32
  }
  func.func @transform_1(%arg0: i32) -> (i32, i32, i32) {
    %c0_i32 = arith.constant 0 : i32
    %c0_i32_0 = arith.constant 0 : i32
    %c0_i32_1 = arith.constant 0 : i32
    return %arg0, %c0_i32, %c0_i32_0 : i32, i32, i32
  }
  func.func @transform_2(%arg0: i32) -> (i32, i32) {
    %c0_i32 = arith.constant 0 : i32
    %c0_i32_0 = arith.constant 0 : i32
    return %arg0, %c0_i32 : i32, i32
  }
}

</mosaic_0001>

<sc_bundles>
// kernel: kernel.5.cloned.1.call-start
scs
__scs_entry_jumppad:
0x0: {  	(pc) =	sbr.rel $0x88, $3  }
0x1: {  	(tag) =	ssettag $0x0;
	lr =	simm.s32 $0x1  }
0x2: {  	[smem:$0x3F9D] =	sst lr;
	_ =	strace $0xD0000000  }
0x3: {  	_ = 	snop  }
0x4: {  	_ = 	snop  }
0x5: {  	_ = 	snop  }
0x6: {  	_ = 	snop  }
0x7: {  	_ = 	snop  }
__scs_overlays_trampoline_lowered:
0x8: {  	[smem:$0x3FAC] =	sst s0  }
0x9: {  	[smem:$0x3FAD] =	sst s1  }
0xa: {  	[smem:$0x3FAE] =	sst s2  }
0xb: {  	[smem:$0x3FAF] =	sst s3  }
0xc: {  	[smem:$0x3FB0] =	sst s4  }
0xd: {  	[smem:$0x3FB1] =	sst s5  }
0xe: {  	[smem:$0x3FB2] =	sst s6  }
0xf: {  	[smem:$0x3FB3] =	sst s7  }
0x10: {  	[smem:$0x3FB4] =	sst s8  }
0x11: {  	[smem:$0x3FB5] =	sst s9;
	s0 =	simm.s32 @!p0 $0x0  }
0x12: {  	s1 =	sld [smem:$0x3F9B];
	s0 =	simm.s32 @p0 $0x1  }
0x13: {  	[smem:$0x3FB6] =	sst s0;
	s0 =	simm.s32 @!p1 $0x0  }
0x14: {  	s2 =	sld [smem:$0x3F9A];
	s0 =	simm.s32 @p1 $0x1  }
0x15: {  	[smem:$0x3FB7] =	sst s0;
	s0 =	simm.s32 @!p2 $0x0  }
0x16: {  	s3 =	sld [smem:$0x3FDB];
	s0 =	simm.s32 @p2 $0x1  }
0x17: {  	s4 =	simm.s32 $0x1BF5;
	[smem:$0x3FB9] =	sst s0  }
0x18: {  	s0 =	sld [smem:$0x3F9C];
	_ =	swait.ge [sflag:s4], $0x0  }
0x19: {  	s7 =	sld [smem:$0x3F9D]  }
0x1a: {  	s8 =	sadd.s32 $0xFFFFE003, lr  }
0x1b: {  	s9 =	sadd.s32 $0xFFFFFEF7, lr;
	s5 =	simm.s32 $0xFFFFFFFF;
	p2 =	slt.u32 s8, $0xFFFFF086  }
0x1c: {  	p1 =	slt.u32 s9, $0xF7A;
	s5 =	simm.s32 @!p2 $0x0  }
0x1d: {  	s5 =	simm.s32 @p1 $0x1;
	p0 =	seq.s32 s7, s2  }
0x1e: {  	s7 =	smul.u32 @!p0 $0xF7A, s2;
	p2 =	seq.s32 @!p0 s5, $0x0  }
0x1f: {  	s9 =	smul.u32 $0xF7A, s1;
	s8 =	simm.s32 @!p0 $0x1BF5;
	p2 =	por !p2, p0  }
0x20: {  	[sflag:s8] =	ssyncset.s32 @!p0 $0xFFFFF086;
	s6 =	sadd.s32 @!p0 s3, s7;
	s7 =	simm.s32 @!p0 $0x108  }
0x21: {  	s3 =	sadd.s32 s3, s9;
	s6 =	sadd.s32 @!p0 $0x88, s6;
	s7 =	simm.s32 @p2 $0x1082  }
0x22: {  	[simem:s7], [sflag:s8] =	dma.local @!p0 [hbm:s6], $0xF7A  }
0x23: {  	s9 =	sor.u32 $0xD0000000, s2;
	s6 =	simm.s32 $0x108;
	_ =	swait.ge @!p0 [sflag:s8], $0x0  }
0x24: {  	s3 =	sadd.s32 $0x88, s3;
	s6 =	simm.s32 @!p1 $0x1082;
	[sflag:s4] =	ssyncset.s32 $0xFFFFF086  }
0x25: {  	[simem:s6], [sflag:s4] =	dma.local [hbm:s3], $0xF7A  }
0x26: {  	[smem:$0x3F9D] =	sst s1;
	(tag) =	ssettag s2;
	_ =	strace s9  }
0x27: {  	s1 =	sld [smem:$0x3FAD]  }
0x28: {  	s2 =	sld [smem:$0x3FAE]  }
0x29: {  	s4 =	sld [smem:$0x3FB0]  }
0x2a: {  	p0 =	seq.s32 s5, $0x0;
	s5 =	sld [smem:$0x3FB1]  }
0x2b: {  	s6 =	sld [smem:$0x3FB2]  }
0x2c: {  	s7 =	sld [smem:$0x3FB3]  }
0x2d: {  	s3 =	simm.s32 $0x108;
	s8 =	sld [smem:$0x3FB4]  }
0x2e: {  	s3 =	simm.s32 @!p0 $0x1082;
	s9 =	sld [smem:$0x3FB5]  }
0x2f: {  	lr =	sadd.s32 s0, s3;
	s0 =	sld [smem:$0x3FAC]  }
0x30: {  	s3 =	sld [smem:$0x3FAF]  }
0x31: {  	[smem:$0x3FB8] =	sst s10  }
0x32: {  	s10 =	sld [smem:$0x3FB6];
	_ =	sdelay $0x3  }
0x33: {  	p0 =	seq.s32 s10, $0x1;
	s10 =	sld [smem:$0x3FB8];
	_ =	sdelay $0x3  }
0x34: {  	[smem:$0x3FB8] =	sst s10  }
0x35: {  	s10 =	sld [smem:$0x3FB7];
	_ =	sdelay $0x3  }
0x36: {  	p1 =	seq.s32 s10, $0x1;
	s10 =	sld [smem:$0x3FB8];
	_ =	sdelay $0x3  }
0x37: {  	[smem:$0x3FB8] =	sst s10  }
0x38: {  	s10 =	sld [smem:$0x3FB9]  }
0x39: {  	_ = 	snop;
	(pc) =	sbr.ind lr, $3  }
0x3a: {  	_ = 	snop  }
0x3b: {  	_ = 	snop  }
0x3c: {  	p2 =	seq.s32 s10, $0x1;
	s10 =	sld [smem:$0x3FB8]  }
0x3d: {  	_ =	shalt  }
0x3e: {  	_ =	shalt  }
0x3f: {  	_ =	shalt  }
0x40: {  	_ =	shalt  }
0x41: {  	_ =	shalt  }
0x42: {  	_ =	shalt  }
0x43: {  	_ =	shalt  }
0x44: {  	_ =	shalt  }
0x45: {  	_ =	shalt  }
0x46: {  	_ =	shalt  }
0x47: {  	_ =	shalt  }
0x48: {  	_ =	shalt  }
0x49: {  	_ =	shalt  }
0x4a: {  	_ =	shalt  }
0x4b: {  	_ =	shalt  }
0x4c: {  	_ =	shalt  }
0x4d: {  	_ =	shalt  }
0x4e: {  	_ =	shalt  }
0x4f: {  	_ =	shalt  }
0x50: {  	_ =	shalt  }
0x51: {  	_ =	shalt  }
0x52: {  	_ =	shalt  }
0x53: {  	_ =	shalt  }
0x54: {  	_ =	shalt  }
0x55: {  	_ =	shalt  }
0x56: {  	_ =	shalt  }
0x57: {  	_ =	shalt  }
0x58: {  	_ =	shalt  }
0x59: {  	_ =	shalt  }
0x5a: {  	_ =	shalt  }
0x5b: {  	_ =	shalt  }
0x5c: {  	_ =	shalt  }
0x5d: {  	_ =	shalt  }
0x5e: {  	_ =	shalt  }
0x5f: {  	_ =	shalt  }
0x60: {  	_ =	shalt  }
0x61: {  	_ =	shalt  }
0x62: {  	_ =	shalt  }
0x63: {  	_ =	shalt  }
0x64: {  	_ =	shalt  }
0x65: {  	_ =	shalt  }
0x66: {  	_ =	shalt  }
0x67: {  	_ =	shalt  }
0x68: {  	_ =	shalt  }
0x69: {  	_ =	shalt  }
0x6a: {  	_ =	shalt  }
0x6b: {  	_ =	shalt  }
0x6c: {  	_ =	shalt  }
0x6d: {  	_ =	shalt  }
0x6e: {  	_ =	shalt  }
0x6f: {  	_ =	shalt  }
0x70: {  	_ =	shalt  }
0x71: {  	_ =	shalt  }
0x72: {  	_ =	shalt  }
0x73: {  	_ =	shalt  }
0x74: {  	_ =	shalt  }
0x75: {  	_ =	shalt  }
0x76: {  	_ =	shalt  }
0x77: {  	_ =	shalt  }
0x78: {  	_ =	shalt  }
0x79: {  	_ =	shalt  }
0x7a: {  	_ =	shalt  }
0x7b: {  	_ =	shalt  }
0x7c: {  	_ =	shalt  }
0x7d: {  	_ =	shalt  }
0x7e: {  	_ =	shalt  }
0x7f: {  	_ =	shalt  }
0x80: {  	_ =	shalt  }
0x81: {  	_ =	shalt  }
0x82: {  	_ =	shalt  }
0x83: {  	_ =	shalt  }
0x84: {  	_ =	shalt  }
0x85: {  	_ =	shalt  }
0x86: {  	_ =	shalt  }
0x87: {  	_ =	shalt  }
.Lfunc_end0:
.L_simem_size_0:
called_computation_lowered:
.L_overlay_start_0:
0x88: {  	s2 =	sld [smem:$0x3FD9]  }
0x89: {  	s3 =	sld [smem:$0x3FFE];
	_ =	sdelay $0x1  }
0x8a: {  	s1 =	srdreg.scid  }
0x8b: {  	s0 =	sand.u32 $0x1, s1  }
0x8c: {  	s17 =	sshll.u32 s0, $0xA;
	s2 =	sadd.s32 s3, s2  }
0x8d: {  	s2 =	sadd.s32 s2, s17  }
0x8e: {  	[smem:$0x3FC4] =	sst s2  }
0x8f: {  	_ = 	snop  }
0x90: {  	s2 =	sld [smem:$0x3FD0];
	(tm) =	ssettm $0x1  }
0x91: {  	s18 =	sld [smem:$0x3FFB];
	_ =	sdelay $0x3  }
0x92: {  	_ =	strace s18  }
0x93: {  	s3 =	sld [smem:$0x3FFC];
	_ =	sdelay $0x3  }
0x94: {  	_ =	strace s3  }
0x95: {  	s3 =	sld [smem:$0x3FFD];
	_ =	sdelay $0x3  }
0x96: {  	_ =	strace s3  }
0x97: {  	_ =	strace $0x8FFFFFFF  }
0x98: {  	s19 =	sld [smem:$0x3FDB];
	_ =	sdelay $0x1  }
0x99: {  	s4 =	simm.s32 $_scs_section_size  }
0x9a: {  	s5 =	simm.s32 $_size__tile_overlayer_lowered;
	s6 =	simm.s32 $_tile_overlayer_lowered  }
0x9b: {  	s22 =	simm.s32 $0x1BFF;
	s21 =	sshll.u32 s6, $0x1;
	s3 =	sadd.s32 s4, s19  }
0x9c: {  	s7 =	simm.s32 $0x0;
	s20 =	sshll.u32 s5, $0x1;
	s5 =	sadd.s32 s21, s3  }
0x9d: {  	[timem:s7], [sflag:s22] =	dma.local [hbm:s5], s20  }
0x9e: {  	_ =	swait.ge [sflag:s22], s20  }
0x9f: {  	s4 =	ssub.s32 $0x0, s20;
	[sflag:s22] =	ssyncset.done $0x0  }
0xa0: {  	[sflag:s22] =	ssyncadd.s32 s4;
	_ =	sdelay $0x1  }
0xa1: {  	s23 =	simm.s32 $0x1B8B  }
0xa2: {  	_ =	swait.ge [sflag:s23], $0x1  }
0xa3: {  	[sflag:s23] =	ssyncset.done $0x0  }
0xa4: {  	s25 =	simm.s32 $0x1B8E;
	s24 =	sld [smem:$0x3FFE];
	[sflag:s23] =	ssyncadd.s32 $0xFFFFFFFF  }
0xa5: {  	s26 =	simm.s32 $execute0_lowered;
	[smem:$0x3FD2] =	sst s25  }
0xa6: {  	s5 =	sshll.u32 s26, $0x1;
	_ =	strace $0x80000046;
	[dreg:$0x1] =	wrdreg $0xFFFFFFFF  }
0xa7: {  	s28 =	simm.s32 $_size_execute0_lowered;
	s3 =	sadd.s32 s3, s5;
	[dreg:$0x0] =	wrdreg $0x0  }
0xa8: {  	s5 =	sshll.u32 s28, $0x1;
	[dreg:$0x2] =	wrdreg s3  }
0xa9: {  	[dreg:$0x3] =	wrdreg s5  }
0xaa: {  	[dreg:$0x4] =	wrdreg $0xC0  }
0xab: {  	_ =	task [dreg:s7], $0x5FFFF  }
0xac: {  	[dreg:$0x1] =	wrdreg $0xFFFFFFFF  }
0xad: {  	[dreg:$0x0] =	wrdreg $0x60  }
0xae: {  	[dreg:$0x2] =	wrdreg s24  }
0xaf: {  	[dreg:$0x3] =	wrdreg s2  }
0xb0: {  	[dreg:$0x4] =	wrdreg $0x9  }
0xb1: {  	_ =	task.clear_ibuf [dreg:s7], $0x5FFFF;
	_ =	strace $0x90000046  }
0xb2: {  	s29 =	simm.s32 $0x9;
	_ =	strace $0x80000048  }
0xb3: {  	_ =	swait.ge [sflag:s29], $0x1  }
0xb4: {  	[sflag:s29] =	ssyncadd.s32 $0xFFFFFFFF  }
0xb5: {  	_ =	strace $0x90000048  }
0xb6: {  	_ =	sfence  }
0xb7: {  	s30 =	sld [smem:$0x0];
	_ =	sdelay $0x2  }
0xb8: {  	s31 =	sshll.u32 s1, $0xD;
	s1 =	sshrl.u32 s1, $0x2  }
0xb9: {  	s3 =	sand.u32 $0x4000, s31;
	s1 =	sadd.s32 s1, s30  }
0xba: {  	s0 =	sor.u32 s3, s0;
	s1 =	sshll.u32 s1, $0x11  }
0xbb: {  	s0 =	sor.u32 s1, s0  }
0xbc: {  	s0 =	sadd.s32 $0x8F2B, s0  }
0xbd: {  	[sflag:s0] =	ssyncadd.remote.s32 $0x1  }
0xbe: {  	_ =	sfence.sel $0xFFFF  }
0xbf: {  	[dreg:$0x0] =	wrdreg $0xFFFFFFFF;
	(pc) =	sbr.abs _section_cstart, $3  }
0xc0: {  	[dreg:$0x1] =	wrdreg $0xFFFFFFFF  }
0xc1: {  	_ =	task.clear_ibuf [dreg:s7], $0x2FFFF;
	_ =	strace $0x9FFFFFFF  }
0xc2: {  	(tm) =	ssettm $0x7FFFFFFF  }
0xc3: {  	_ =	shalt  }
tec
execute0_lowered:
.L_overlay_start_1:
0x0: {  	(tag) =	ssettag $0x1  }
0x1: {  	s2 =	stileid.u32;
	s4 =	rddreg [dreg:$0x0]  }
0x2: {  	s3 =	rddreg [dreg:$0x1];
	s20 =	sshll.u32 s2, $0x1;
	s2 =	simm.s32 $0x0  }
0x3: {  	s22 =	simm.s32 $0x1C80;
	[smem:$0x7FF] =	sst s2  }
0x4: {  	s23 =	simm.s32 $0x100;
	_ =	strace $0x80000047;
	[dreg:$0x5] =	wrdreg s22  }
0x5: {  	s24 =	simm.s32 $0x2C80;
	[dreg:$0x6] =	wrdreg s23  }
0x6: {  	s25 =	simm.s32 $0x180;
	[dreg:$0x7] =	wrdreg s24  }
0x7: {  	s26 =	simm.s32 $0x3C80;
	[dreg:$0x8] =	wrdreg s25  }
0x8: {  	s6 =	simm.s32 $0x280;
	[dreg:$0x9] =	wrdreg s26  }
0x9: {  	s7 =	simm.s32 $0x5C80;
	[dreg:$0xc] =	wrdreg s6  }
0xa: {  	s8 =	simm.s32 $0x300;
	[dreg:$0xd] =	wrdreg s7  }
0xb: {  	s9 =	simm.s32 $0x6C80;
	[dreg:$0xe] =	wrdreg s8  }
0xc: {  	s10 =	simm.s32 $0x380;
	[dreg:$0xf] =	wrdreg s9  }
0xd: {  	s11 =	simm.s32 $0x7C80;
	[dreg:$0x10] =	wrdreg s10  }
0xe: {  	s12 =	simm.s32 $0x400;
	[dreg:$0x11] =	wrdreg s11  }
0xf: {  	s13 =	simm.s32 $0x8C80;
	[dreg:$0x12] =	wrdreg s12  }
0x10: {  	s14 =	simm.s32 $0x480;
	[dreg:$0x13] =	wrdreg s13  }
0x11: {  	s15 =	simm.s32 $0x9C80;
	[dreg:$0x14] =	wrdreg s14  }
0x12: {  	s0 =	srdreg.scid;
	s16 =	simm.s32 $0x500;
	[dreg:$0x15] =	wrdreg s15  }
0x13: {  	s17 =	simm.s32 $0xAC80;
	s1 =	sand.u32 $0x1, s0;
	[dreg:$0x16] =	wrdreg s16  }
0x14: {  	s18 =	simm.s32 $0x580;
	s0 =	sor.u32 s1, s20;
	[dreg:$0x17] =	wrdreg s17  }
0x15: {  	s19 =	simm.s32 $0xBC80;
	s5 =	smul.u32 $0x3200, s0;
	[dreg:$0x18] =	wrdreg s18  }
0x16: {  	s20 =	simm.s32 $0x600;
	s0 =	smul.u32 $0x190, s0;
	[dreg:$0x19] =	wrdreg s19  }
0x17: {  	[dreg:$0x1a] =	wrdreg s20;
	s23 =	simm.s32 $0x680  }
0x18: {  	[dreg:$0x1c] =	wrdreg s23;
	s0 =	sadd.s32 s3, s0  }
0x19: {  	s5 =	sadd.s32 s5, s4;
	s3 =	simm.s32 $0x200;
	[dreg:$0x3] =	wrdreg s0  }
0x1a: {  	s21 =	sadd.s32 $0x1000, s5;
	[dreg:$0xa] =	wrdreg s3  }
0x1b: {  	s5 =	simm.s32 $0x4C80;
	[dreg:$0x4] =	wrdreg s21  }
0x1c: {  	[dreg:$0xb] =	wrdreg s5  }
0x1d: {  	s21 =	simm.s32 $0xCC80;
	s22 =	rddreg [dreg:$0x3]  }
0x1e: {  	s3 =	simm.s32 $0x2;
	[dreg:$0x1b] =	wrdreg s21  }
0x1f: {  	[tilespmem:s2], [sflag:$0x2] =	stream.linear.gather [hbm4b:s22+s2], $0xC80, $0x38;
	[tilespmem:$0x19C80] =	vst v63  }
0x20: {  	_ =	swait.ge [sflag:s3], $0xC80  }
0x21: {  	s0 =	rddreg [dreg:$0x1b]  }
0x22: {  	s7 =	rddreg [dreg:$0x19]  }
0x23: {  	s8 =	rddreg [dreg:$0x17]  }
0x24: {  	s9 =	rddreg [dreg:$0x15]  }
0x25: {  	s10 =	rddreg [dreg:$0x13]  }
0x26: {  	s11 =	rddreg [dreg:$0x11]  }
0x27: {  	s12 =	rddreg [dreg:$0xf]  }
0x28: {  	s13 =	rddreg [dreg:$0xd]  }
0x29: {  	s6 =	simm.s32 $0x80;
	s14 =	rddreg [dreg:$0xb]  }
0x2a: {  	s5 =	sadd.s32 $0x187A00, s4;
	s15 =	rddreg [dreg:$0x6];
	[sflag:s3] =	ssyncset.done $0x0  }
0x2b: {  	s4 =	simm.s32 $0xC80;
	s16 =	rddreg [dreg:$0x5];
	[sflag:s3] =	ssyncadd.s32 $0xFFFFF380  }
0x2c: {  	[tilespmem:s4], [sflag:$0x1] =	stream.indirect.gather [hbm4b:s5+s6], $0x20, s2, s6, $0xb8;
	[tilespmem:$0x19C80] =	vst v63  }
0x2d: {  	s17 =	rddreg [dreg:$0x7]  }
0x2e: {  	[tilespmem:s16], [sflag:$0x1] =	stream.indirect.gather [hbm4b:s5+s6], $0x20, s6, s6, $0xb8;
	[tilespmem:$0x19C80] =	vst v63  }
0x2f: {  	s18 =	rddreg [dreg:$0x9]  }
0x30: {  	[tilespmem:s17], [sflag:$0x1] =	stream.indirect.gather [hbm4b:s5+s6], $0x20, s15, s6, $0xb8;
	[tilespmem:$0x19C80] =	vst v63  }
0x31: {  	s24 =	rddreg [dreg:$0x8]  }
0x32: {  	[tilespmem:s18], [sflag:$0x1] =	stream.indirect.gather [hbm4b:s5+s6], $0x20, s24, s6, $0xb8;
	[tilespmem:$0x19C80] =	vst v63  }
0x33: {  	s25 =	rddreg [dreg:$0xa]  }
0x34: {  	[tilespmem:s14], [sflag:$0x1] =	stream.indirect.gather [hbm4b:s5+s6], $0x20, s25, s6, $0xb8;
	[tilespmem:$0x19C80] =	vst v63  }
0x35: {  	s26 =	rddreg [dreg:$0xc]  }
0x36: {  	[tilespmem:s13], [sflag:$0x1] =	stream.indirect.gather [hbm4b:s5+s6], $0x20, s26, s6, $0xb8;
	[tilespmem:$0x19C80] =	vst v63  }
0x37: {  	s15 =	rddreg [dreg:$0xe]  }
0x38: {  	[tilespmem:s12], [sflag:$0x1] =	stream.indirect.gather [hbm4b:s5+s6], $0x20, s15, s6, $0xb8;
	[tilespmem:$0x19C80] =	vst v63  }
0x39: {  	s17 =	rddreg [dreg:$0x10]  }
0x3a: {  	[tilespmem:s11], [sflag:$0x1] =	stream.indirect.gather [hbm4b:s5+s6], $0x20, s17, s6, $0xb8;
	[tilespmem:$0x19C80] =	vst v63  }
0x3b: {  	s18 =	rddreg [dreg:$0x12]  }
0x3c: {  	[tilespmem:s10], [sflag:$0x1] =	stream.indirect.gather [hbm4b:s5+s6], $0x20, s18, s6, $0xb8;
	[tilespmem:$0x19C80] =	vst v63  }
0x3d: {  	s19 =	rddreg [dreg:$0x14]  }
0x3e: {  	[tilespmem:s9], [sflag:$0x1] =	stream.indirect.gather [hbm4b:s5+s6], $0x20, s19, s6, $0xb8;
	[tilespmem:$0x19C80] =	vst v63  }
0x3f: {  	s20 =	rddreg [dreg:$0x16]  }
0x40: {  	[tilespmem:s8], [sflag:$0x1] =	stream.indirect.gather [hbm4b:s5+s6], $0x20, s20, s6, $0xb8;
	[tilespmem:$0x19C80] =	vst v63  }
0x41: {  	s21 =	rddreg [dreg:$0x18]  }
0x42: {  	[tilespmem:s7], [sflag:$0x1] =	stream.indirect.gather [hbm4b:s5+s6], $0x20, s21, s6, $0xb8;
	[tilespmem:$0x19C80] =	vst v63  }
0x43: {  	s22 =	rddreg [dreg:$0x1a]  }
0x44: {  	[tilespmem:s0], [sflag:$0x1] =	stream.indirect.gather [hbm4b:s5+s6], $0x20, s22, s6, $0xb8;
	[tilespmem:$0x19C80] =	vst v63  }
0x45: {  	s23 =	rddreg [dreg:$0x1c];
	s24 =	simm.s32 $0xDC80  }
0x46: {  	[tilespmem:s24], [sflag:$0x1] =	stream.indirect.gather [hbm4b:s5+s6], $0x20, s23, s6, $0xb8;
	[tilespmem:$0x19C80] =	vst v63  }
0x47: {  	s25 =	simm.s32 $0x700;
	s26 =	simm.s32 $0xEC80  }
0x48: {  	[tilespmem:s26], [sflag:$0x1] =	stream.indirect.gather [hbm4b:s5+s6], $0x20, s25, s6, $0xb8;
	[tilespmem:$0x19C80] =	vst v63  }
0x49: {  	s9 =	simm.s32 $0xFC80;
	s8 =	simm.s32 $0x780  }
0x4a: {  	[tilespmem:s9], [sflag:$0x1] =	stream.indirect.gather [hbm4b:s5+s6], $0x20, s8, s6, $0xb8;
	[tilespmem:$0x19C80] =	vst v63  }
0x4b: {  	s11 =	simm.s32 $0x10C80;
	s10 =	simm.s32 $0x800  }
0x4c: {  	[tilespmem:s11], [sflag:$0x1] =	stream.indirect.gather [hbm4b:s5+s6], $0x20, s10, s6, $0xb8;
	[tilespmem:$0x19C80] =	vst v63  }
0x4d: {  	s13 =	simm.s32 $0x11C80;
	s12 =	simm.s32 $0x880  }
0x4e: {  	[tilespmem:s13], [sflag:$0x1] =	stream.indirect.gather [hbm4b:s5+s6], $0x20, s12, s6, $0xb8;
	[tilespmem:$0x19C80] =	vst v63  }
0x4f: {  	s14 =	simm.s32 $0x900;
	s15 =	simm.s32 $0x12C80  }
0x50: {  	[tilespmem:s15], [sflag:$0x1] =	stream.indirect.gather [hbm4b:s5+s6], $0x20, s14, s6, $0xb8;
	[tilespmem:$0x19C80] =	vst v63  }
0x51: {  	s16 =	simm.s32 $0x980;
	s17 =	simm.s32 $0x13C80  }
0x52: {  	[tilespmem:s17], [sflag:$0x1] =	stream.indirect.gather [hbm4b:s5+s6], $0x20, s16, s6, $0xb8;
	[tilespmem:$0x19C80] =	vst v63  }
0x53: {  	s20 =	simm.s32 $0xA00;
	s21 =	simm.s32 $0x14C80  }
0x54: {  	[tilespmem:s21], [sflag:$0x1] =	stream.indirect.gather [hbm4b:s5+s6], $0x20, s20, s6, $0xb8;
	[tilespmem:$0x19C80] =	vst v63  }
0x55: {  	s22 =	simm.s32 $0xA80;
	s23 =	simm.s32 $0x15C80  }
0x56: {  	[tilespmem:s23], [sflag:$0x1] =	stream.indirect.gather [hbm4b:s5+s6], $0x20, s22, s6, $0xb8;
	[tilespmem:$0x19C80] =	vst v63  }
0x57: {  	s24 =	simm.s32 $0xB00;
	s26 =	simm.s32 $0x16C80  }
0x58: {  	[tilespmem:s26], [sflag:$0x1] =	stream.indirect.gather [hbm4b:s5+s6], $0x20, s24, s6, $0xb8;
	[tilespmem:$0x19C80] =	vst v63  }
0x59: {  	s28 =	simm.s32 $0xB80;
	s29 =	simm.s32 $0x17C80  }
0x5a: {  	[tilespmem:s29], [sflag:$0x1] =	stream.indirect.gather [hbm4b:s5+s6], $0x20, s28, s6, $0xb8;
	[tilespmem:$0x19C80] =	vst v63  }
0x5b: {  	s30 =	simm.s32 $0xC00;
	s31 =	simm.s32 $0x18C80;
	s25 =	simm.s32 $0x1  }
0x5c: {  	[tilespmem:s31], [sflag:$0x1] =	stream.indirect.gather [hbm4b:s5+s6], $0x20, s30, s6, $0xb8;
	[tilespmem:$0x19C80] =	vst v63  }
0x5d: {  	_ =	swait.ge [sflag:s25], $0x1000  }
0x5e: {  	[sflag:s25] =	ssyncset.done $0x0  }
0x5f: {  	[sflag:s25] =	ssyncadd.s32 $0xFFFFF000  }
0x60: {  	_ =	swait.ge [sflag:s25], $0x1000  }
0x61: {  	[sflag:s25] =	ssyncset.done $0x0  }
0x62: {  	[sflag:s25] =	ssyncadd.s32 $0xFFFFF000  }
0x63: {  	_ =	swait.ge [sflag:s25], $0x1000  }
0x64: {  	[sflag:s25] =	ssyncset.done $0x0  }
0x65: {  	[sflag:s25] =	ssyncadd.s32 $0xFFFFF000  }
0x66: {  	_ =	swait.ge [sflag:s25], $0x1000  }
0x67: {  	[sflag:s25] =	ssyncset.done $0x0  }
0x68: {  	[sflag:s25] =	ssyncadd.s32 $0xFFFFF000  }
0x69: {  	_ =	swait.ge [sflag:s25], $0x1000  }
0x6a: {  	[sflag:s25] =	ssyncset.done $0x0  }
0x6b: {  	[sflag:s25] =	ssyncadd.s32 $0xFFFFF000  }
0x6c: {  	_ =	swait.ge [sflag:s25], $0x1000  }
0x6d: {  	[sflag:s25] =	ssyncset.done $0x0  }
0x6e: {  	[sflag:s25] =	ssyncadd.s32 $0xFFFFF000  }
0x6f: {  	_ =	swait.ge [sflag:s25], $0x1000  }
0x70: {  	[sflag:s25] =	ssyncset.done $0x0  }
0x71: {  	[sflag:s25] =	ssyncadd.s32 $0xFFFFF000  }
0x72: {  	_ =	swait.ge [sflag:s25], $0x1000  }
0x73: {  	[sflag:s25] =	ssyncset.done $0x0  }
0x74: {  	[sflag:s25] =	ssyncadd.s32 $0xFFFFF000  }
0x75: {  	_ =	swait.ge [sflag:s25], $0x1000  }
0x76: {  	[sflag:s25] =	ssyncset.done $0x0  }
0x77: {  	[sflag:s25] =	ssyncadd.s32 $0xFFFFF000  }
0x78: {  	_ =	swait.ge [sflag:s25], $0x1000  }
0x79: {  	[sflag:s25] =	ssyncset.done $0x0  }
0x7a: {  	[sflag:s25] =	ssyncadd.s32 $0xFFFFF000  }
0x7b: {  	_ =	swait.ge [sflag:s25], $0x1000  }
0x7c: {  	[sflag:s25] =	ssyncset.done $0x0  }
0x7d: {  	[sflag:s25] =	ssyncadd.s32 $0xFFFFF000  }
0x7e: {  	_ =	swait.ge [sflag:s25], $0x1000  }
0x7f: {  	[sflag:s25] =	ssyncset.done $0x0  }
0x80: {  	[sflag:s25] =	ssyncadd.s32 $0xFFFFF000  }
0x81: {  	_ =	swait.ge [sflag:s25], $0x1000  }
0x82: {  	[sflag:s25] =	ssyncset.done $0x0  }
0x83: {  	[sflag:s25] =	ssyncadd.s32 $0xFFFFF000  }
0x84: {  	_ =	swait.ge [sflag:s25], $0x1000  }
0x85: {  	[sflag:s25] =	ssyncset.done $0x0  }
0x86: {  	[sflag:s25] =	ssyncadd.s32 $0xFFFFF000  }
0x87: {  	_ =	swait.ge [sflag:s25], $0x1000  }
0x88: {  	[sflag:s25] =	ssyncset.done $0x0  }
0x89: {  	[sflag:s25] =	ssyncadd.s32 $0xFFFFF000  }
0x8a: {  	_ =	swait.ge [sflag:s25], $0x1000  }
0x8b: {  	[sflag:s25] =	ssyncset.done $0x0  }
0x8c: {  	[sflag:s25] =	ssyncadd.s32 $0xFFFFF000  }
0x8d: {  	_ =	swait.ge [sflag:s25], $0x1000  }
0x8e: {  	[sflag:s25] =	ssyncset.done $0x0  }
0x8f: {  	[sflag:s25] =	ssyncadd.s32 $0xFFFFF000  }
0x90: {  	_ =	swait.ge [sflag:s25], $0x1000  }
0x91: {  	[sflag:s25] =	ssyncset.done $0x0  }
0x92: {  	[sflag:s25] =	ssyncadd.s32 $0xFFFFF000  }
0x93: {  	_ =	swait.ge [sflag:s25], $0x1000  }
0x94: {  	[sflag:s25] =	ssyncset.done $0x0  }
0x95: {  	[sflag:s25] =	ssyncadd.s32 $0xFFFFF000  }
0x96: {  	_ =	swait.ge [sflag:s25], $0x1000  }
0x97: {  	s18 =	ssub.s32 $0x2, s1;
	[sflag:s25] =	ssyncset.done $0x0  }
0x98: {  	s1 =	sshrl.u32 s18, $0x1;
	[sflag:s25] =	ssyncadd.s32 $0xFFFFF000  }
0x99: {  	s0 =	ssub.s32 s18, s1;
	_ =	swait.ge [sflag:s25], $0x1000  }
0x9a: {  	s0 =	smax.u32 s0, $0x1;
	[sflag:s25] =	ssyncset.done $0x0  }
0x9b: {  	p0 =	sne.s32 s0, $0x1;
	[sflag:s25] =	ssyncadd.s32 $0xFFFFF000  }
.Ltmp0:
0x9c: {  	_ =	swait.ge [sflag:s25], $0x1000;
	(pc) =	sbr.rel @!p0 .LBB2_2-.Ltmp0, $4  }
0x9d: {  	[sflag:s25] =	ssyncset.done $0x0  }
0x9e: {  	[sflag:s25] =	ssyncadd.s32 $0xFFFFF000  }
0x9f: {  	_ =	swait.ge [sflag:s25], $0x1000  }
0xa0: {  	s19 =	simm.s32 $0x13C80;
	s1 =	sadd.s32 $0xFFFFFFFF, s0;
	[sflag:s25] =	ssyncset.done $0x0  }
.LBB2_1:
0xa1: {  	[sflag:s25] =	ssyncadd.s32 $0xFFFFF000  }
0xa2: {  	_ =	swait.ge [sflag:s25], $0x1000  }
0xa3: {  	[sflag:s25] =	ssyncset.done $0x0  }
0xa4: {  	[sflag:s25] =	ssyncadd.s32 $0xFFFFF000  }
0xa5: {  	_ =	swait.ge [sflag:s25], $0x1000  }
0xa6: {  	[sflag:s25] =	ssyncset.done $0x0  }
0xa7: {  	s0 =	rddreg [dreg:$0x4];
	[sflag:s25] =	ssyncadd.s32 $0xFFFFF000  }
0xa8: {  	[hbm4b:s0+s2] =	stream.linear.scatter [tilespmem:s4], [sflag:$0x2], $0x19000, $0x38;
	[tilespmem:$0x19C80] =	vst v63  }
0xa9: {  	_ =	swait.ge [sflag:s3], $0x19000  }
0xaa: {  	[sflag:s3] =	ssyncset.done $0x0  }
0xab: {  	s16 =	rddreg [dreg:$0x3];
	[sflag:s3] =	ssyncadd.s32 $0xFFFE7000  }
0xac: {  	[tilespmem:s2], [sflag:$0x2] =	stream.linear.gather [hbm4b:s16+s2], $0xC80, $0x38;
	[tilespmem:$0x19C80] =	vst v63  }
0xad: {  	_ =	swait.ge [sflag:s3], $0xC80  }
0xae: {  	s0 =	rddreg [dreg:$0x1b]  }
0xaf: {  	s7 =	rddreg [dreg:$0x19]  }
0xb0: {  	s8 =	rddreg [dreg:$0x17]  }
0xb1: {  	s9 =	rddreg [dreg:$0x15]  }
0xb2: {  	s10 =	rddreg [dreg:$0x13]  }
0xb3: {  	s11 =	rddreg [dreg:$0x11]  }
0xb4: {  	s12 =	rddreg [dreg:$0xf]  }
0xb5: {  	s13 =	rddreg [dreg:$0xd]  }
0xb6: {  	s14 =	rddreg [dreg:$0xb]  }
0xb7: {  	s15 =	rddreg [dreg:$0x6];
	[sflag:s3] =	ssyncset.done $0x0  }
0xb8: {  	s16 =	rddreg [dreg:$0x5];
	[sflag:s3] =	ssyncadd.s32 $0xFFFFF380  }
0xb9: {  	[tilespmem:s4], [sflag:$0x1] =	stream.indirect.gather [hbm4b:s5+s6], $0x20, s2, s6, $0xb8;
	[tilespmem:$0x19C80] =	vst v63  }
0xba: {  	s17 =	rddreg [dreg:$0x7]  }
0xbb: {  	[tilespmem:s16], [sflag:$0x1] =	stream.indirect.gather [hbm4b:s5+s6], $0x20, s6, s6, $0xb8;
	[tilespmem:$0x19C80] =	vst v63  }
0xbc: {  	s18 =	rddreg [dreg:$0x9]  }
0xbd: {  	[tilespmem:s17], [sflag:$0x1] =	stream.indirect.gather [hbm4b:s5+s6], $0x20, s15, s6, $0xb8;
	[tilespmem:$0x19C80] =	vst v63  }
0xbe: {  	s16 =	rddreg [dreg:$0x8]  }
0xbf: {  	[tilespmem:s18], [sflag:$0x1] =	stream.indirect.gather [hbm4b:s5+s6], $0x20, s16, s6, $0xb8;
	[tilespmem:$0x19C80] =	vst v63  }
0xc0: {  	s17 =	rddreg [dreg:$0xa]  }
0xc1: {  	[tilespmem:s14], [sflag:$0x1] =	stream.indirect.gather [hbm4b:s5+s6], $0x20, s17, s6, $0xb8;
	[tilespmem:$0x19C80] =	vst v63  }
0xc2: {  	s18 =	rddreg [dreg:$0xc]  }
0xc3: {  	[tilespmem:s13], [sflag:$0x1] =	stream.indirect.gather [hbm4b:s5+s6], $0x20, s18, s6, $0xb8;
	[tilespmem:$0x19C80] =	vst v63  }
0xc4: {  	s15 =	rddreg [dreg:$0xe]  }
0xc5: {  	[tilespmem:s12], [sflag:$0x1] =	stream.indirect.gather [hbm4b:s5+s6], $0x20, s15, s6, $0xb8;
	[tilespmem:$0x19C80] =	vst v63  }
0xc6: {  	s17 =	rddreg [dreg:$0x10]  }
0xc7: {  	[tilespmem:s11], [sflag:$0x1] =	stream.indirect.gather [hbm4b:s5+s6], $0x20, s17, s6, $0xb8;
	[tilespmem:$0x19C80] =	vst v63  }
0xc8: {  	s18 =	rddreg [dreg:$0x12]  }
0xc9: {  	[tilespmem:s10], [sflag:$0x1] =	stream.indirect.gather [hbm4b:s5+s6], $0x20, s18, s6, $0xb8;
	[tilespmem:$0x19C80] =	vst v63  }
0xca: {  	s13 =	rddreg [dreg:$0x14]  }
0xcb: {  	[tilespmem:s9], [sflag:$0x1] =	stream.indirect.gather [hbm4b:s5+s6], $0x20, s13, s6, $0xb8;
	[tilespmem:$0x19C80] =	vst v63  }
0xcc: {  	s14 =	rddreg [dreg:$0x16]  }
0xcd: {  	[tilespmem:s8], [sflag:$0x1] =	stream.indirect.gather [hbm4b:s5+s6], $0x20, s14, s6, $0xb8;
	[tilespmem:$0x19C80] =	vst v63  }
0xce: {  	s15 =	rddreg [dreg:$0x18]  }
0xcf: {  	[tilespmem:s7], [sflag:$0x1] =	stream.indirect.gather [hbm4b:s5+s6], $0x20, s15, s6, $0xb8;
	[tilespmem:$0x19C80] =	vst v63  }
0xd0: {  	s16 =	rddreg [dreg:$0x1a]  }
0xd1: {  	[tilespmem:s0], [sflag:$0x1] =	stream.indirect.gather [hbm4b:s5+s6], $0x20, s16, s6, $0xb8;
	[tilespmem:$0x19C80] =	vst v63  }
0xd2: {  	s17 =	rddreg [dreg:$0x1c];
	s18 =	simm.s32 $0xDC80  }
0xd3: {  	[tilespmem:s18], [sflag:$0x1] =	stream.indirect.gather [hbm4b:s5+s6], $0x20, s17, s6, $0xb8;
	[tilespmem:$0x19C80] =	vst v63  }
0xd4: {  	s9 =	simm.s32 $0xEC80;
	s8 =	simm.s32 $0x700  }
0xd5: {  	[tilespmem:s9], [sflag:$0x1] =	stream.indirect.gather [hbm4b:s5+s6], $0x20, s8, s6, $0xb8;
	[tilespmem:$0x19C80] =	vst v63  }
0xd6: {  	s11 =	simm.s32 $0xFC80;
	s10 =	simm.s32 $0x780  }
0xd7: {  	[tilespmem:s11], [sflag:$0x1] =	stream.indirect.gather [hbm4b:s5+s6], $0x20, s10, s6, $0xb8;
	[tilespmem:$0x19C80] =	vst v63  }
0xd8: {  	s12 =	simm.s32 $0x800;
	s13 =	simm.s32 $0x10C80  }
0xd9: {  	[tilespmem:s13], [sflag:$0x1] =	stream.indirect.gather [hbm4b:s5+s6], $0x20, s12, s6, $0xb8;
	[tilespmem:$0x19C80] =	vst v63  }
0xda: {  	s14 =	simm.s32 $0x880;
	s15 =	simm.s32 $0x11C80  }
0xdb: {  	[tilespmem:s15], [sflag:$0x1] =	stream.indirect.gather [hbm4b:s5+s6], $0x20, s14, s6, $0xb8;
	[tilespmem:$0x19C80] =	vst v63  }
0xdc: {  	s16 =	simm.s32 $0x900;
	s17 =	simm.s32 $0x12C80  }
0xdd: {  	[tilespmem:s17], [sflag:$0x1] =	stream.indirect.gather [hbm4b:s5+s6], $0x20, s16, s6, $0xb8;
	[tilespmem:$0x19C80] =	vst v63  }
0xde: {  	s18 =	simm.s32 $0x980  }
0xdf: {  	[tilespmem:s19], [sflag:$0x1] =	stream.indirect.gather [hbm4b:s5+s6], $0x20, s18, s6, $0xb8;
	[tilespmem:$0x19C80] =	vst v63  }
0xe0: {  	_ = 	snop  }
0xe1: {  	[tilespmem:s21], [sflag:$0x1] =	stream.indirect.gather [hbm4b:s5+s6], $0x20, s20, s6, $0xb8;
	[tilespmem:$0x19C80] =	vst v63  }
0xe2: {  	_ = 	snop  }
0xe3: {  	[tilespmem:s23], [sflag:$0x1] =	stream.indirect.gather [hbm4b:s5+s6], $0x20, s22, s6, $0xb8;
	[tilespmem:$0x19C80] =	vst v63  }
0xe4: {  	_ = 	snop  }
0xe5: {  	[tilespmem:s26], [sflag:$0x1] =	stream.indirect.gather [hbm4b:s5+s6], $0x20, s24, s6, $0xb8;
	[tilespmem:$0x19C80] =	vst v63  }
0xe6: {  	_ = 	snop  }
0xe7: {  	[tilespmem:s29], [sflag:$0x1] =	stream.indirect.gather [hbm4b:s5+s6], $0x20, s28, s6, $0xb8;
	[tilespmem:$0x19C80] =	vst v63  }
0xe8: {  	_ = 	snop  }
0xe9: {  	[tilespmem:s31], [sflag:$0x1] =	stream.indirect.gather [hbm4b:s5+s6], $0x20, s30, s6, $0xb8;
	[tilespmem:$0x19C80] =	vst v63  }
0xea: {  	_ =	swait.ge [sflag:s25], $0x1000  }
0xeb: {  	[sflag:s25] =	ssyncset.done $0x0  }
0xec: {  	[sflag:s25] =	ssyncadd.s32 $0xFFFFF000  }
0xed: {  	_ =	swait.ge [sflag:s25], $0x1000  }
0xee: {  	[sflag:s25] =	ssyncset.done $0x0  }
0xef: {  	[sflag:s25] =	ssyncadd.s32 $0xFFFFF000  }
0xf0: {  	_ =	swait.ge [sflag:s25], $0x1000  }
0xf1: {  	[sflag:s25] =	ssyncset.done $0x0  }
0xf2: {  	[sflag:s25] =	ssyncadd.s32 $0xFFFFF000  }
0xf3: {  	_ =	swait.ge [sflag:s25], $0x1000  }
0xf4: {  	[sflag:s25] =	ssyncset.done $0x0  }
0xf5: {  	[sflag:s25] =	ssyncadd.s32 $0xFFFFF000  }
0xf6: {  	_ =	swait.ge [sflag:s25], $0x1000  }
0xf7: {  	[sflag:s25] =	ssyncset.done $0x0  }
0xf8: {  	[sflag:s25] =	ssyncadd.s32 $0xFFFFF000  }
0xf9: {  	_ =	swait.ge [sflag:s25], $0x1000  }
0xfa: {  	[sflag:s25] =	ssyncset.done $0x0  }
0xfb: {  	[sflag:s25] =	ssyncadd.s32 $0xFFFFF000  }
0xfc: {  	_ =	swait.ge [sflag:s25], $0x1000  }
0xfd: {  	[sflag:s25] =	ssyncset.done $0x0  }
0xfe: {  	[sflag:s25] =	ssyncadd.s32 $0xFFFFF000  }
0xff: {  	_ =	swait.ge [sflag:s25], $0x1000  }
0x100: {  	[sflag:s25] =	ssyncset.done $0x0  }
0x101: {  	[sflag:s25] =	ssyncadd.s32 $0xFFFFF000  }
0x102: {  	_ =	swait.ge [sflag:s25], $0x1000  }
0x103: {  	[sflag:s25] =	ssyncset.done $0x0  }
0x104: {  	[sflag:s25] =	ssyncadd.s32 $0xFFFFF000  }
0x105: {  	_ =	swait.ge [sflag:s25], $0x1000  }
0x106: {  	[sflag:s25] =	ssyncset.done $0x0  }
0x107: {  	[sflag:s25] =	ssyncadd.s32 $0xFFFFF000  }
0x108: {  	_ =	swait.ge [sflag:s25], $0x1000  }
0x109: {  	[sflag:s25] =	ssyncset.done $0x0  }
0x10a: {  	[sflag:s25] =	ssyncadd.s32 $0xFFFFF000  }
0x10b: {  	_ =	swait.ge [sflag:s25], $0x1000  }
0x10c: {  	[sflag:s25] =	ssyncset.done $0x0  }
0x10d: {  	[sflag:s25] =	ssyncadd.s32 $0xFFFFF000  }
0x10e: {  	_ =	swait.ge [sflag:s25], $0x1000  }
0x10f: {  	[sflag:s25] =	ssyncset.done $0x0  }
0x110: {  	[sflag:s25] =	ssyncadd.s32 $0xFFFFF000  }
0x111: {  	_ =	swait.ge [sflag:s25], $0x1000  }
0x112: {  	[sflag:s25] =	ssyncset.done $0x0  }
0x113: {  	[sflag:s25] =	ssyncadd.s32 $0xFFFFF000  }
0x114: {  	_ =	swait.ge [sflag:s25], $0x1000  }
0x115: {  	[sflag:s25] =	ssyncset.done $0x0  }
0x116: {  	[sflag:s25] =	ssyncadd.s32 $0xFFFFF000  }
0x117: {  	_ =	swait.ge [sflag:s25], $0x1000  }
0x118: {  	[sflag:s25] =	ssyncset.done $0x0  }
0x119: {  	[sflag:s25] =	ssyncadd.s32 $0xFFFFF000  }
0x11a: {  	_ =	swait.ge [sflag:s25], $0x1000  }
0x11b: {  	[sflag:s25] =	ssyncset.done $0x0  }
0x11c: {  	[sflag:s25] =	ssyncadd.s32 $0xFFFFF000  }
0x11d: {  	_ =	swait.ge [sflag:s25], $0x1000  }
0x11e: {  	[sflag:s25] =	ssyncset.done $0x0  }
0x11f: {  	[sflag:s25] =	ssyncadd.s32 $0xFFFFF000  }
0x120: {  	_ =	swait.ge [sflag:s25], $0x1000  }
0x121: {  	[sflag:s25] =	ssyncset.done $0x0  }
0x122: {  	[sflag:s25] =	ssyncadd.s32 $0xFFFFF000  }
0x123: {  	_ =	swait.ge [sflag:s25], $0x1000  }
0x124: {  	[sflag:s25] =	ssyncset.done $0x0  }
0x125: {  	[sflag:s25] =	ssyncadd.s32 $0xFFFFF000  }
0x126: {  	_ =	swait.ge [sflag:s25], $0x1000  }
0x127: {  	[sflag:s25] =	ssyncset.done $0x0  }
0x128: {  	p0 =	sne.s32 s1, $0x1;
	[sflag:s25] =	ssyncadd.s32 $0xFFFFF000  }
.Ltmp1:
0x129: {  	_ =	swait.ge [sflag:s25], $0x1000;
	(pc) =	sbr.rel @p0 .LBB2_1-.Ltmp1, $4  }
0x12a: {  	[sflag:s25] =	ssyncset.done $0x0  }
0x12b: {  	[sflag:s25] =	ssyncadd.s32 $0xFFFFF000  }
0x12c: {  	_ =	swait.ge [sflag:s25], $0x1000  }
0x12d: {  	s1 =	sadd.s32 $0xFFFFFFFF, s1;
	[sflag:s25] =	ssyncset.done $0x0  }
.LBB2_2:
0x12e: {  	[sflag:s25] =	ssyncadd.s32 $0xFFFFF000  }
0x12f: {  	_ =	swait.ge [sflag:s25], $0x1000  }
0x130: {  	[sflag:s25] =	ssyncset.done $0x0  }
0x131: {  	[sflag:s25] =	ssyncadd.s32 $0xFFFFF000  }
0x132: {  	_ =	swait.ge [sflag:s25], $0x1000  }
0x133: {  	[sflag:s25] =	ssyncset.done $0x0  }
0x134: {  	s0 =	rddreg [dreg:$0x4];
	[sflag:s25] =	ssyncadd.s32 $0xFFFFF000  }
0x135: {  	[hbm4b:s0+s2] =	stream.linear.scatter [tilespmem:s4], [sflag:$0x2], $0x19000, $0x38;
	[tilespmem:$0x19C80] =	vst v63  }
0x136: {  	_ =	swait.ge [sflag:s3], $0x19000  }
0x137: {  	[sflag:s3] =	ssyncset.done $0x0  }
0x138: {  	[sflag:s3] =	ssyncadd.s32 $0xFFFE7000  }
0x139: {  	_ =	sfence.sel $0x180000  }
0x13a: {  	[bflag:$0x0] =	sbarrier.arrive $0xFFFF  }
0x13b: {  	_ =	strace $0x90000047  }
0x13c: {  	s31 =	stileid.u32;
	[bflag:$0x2] =	sbarrier.arrive $0xFFFF  }
0x13d: {  	p0 =	sne.s32 s31, $0x0;
	s0 =	rddreg [dreg:$0x2]  }
0x13e: {  	s0 =	sadd.s32 @!p0 $0x100000, s0  }
0x13f: {  	[sflag:s0] =	ssyncadd.tile.s32 @!p0 $0x1;
	_ =	shalt  }
.Lfunc_end2:
_tile_overlayer_lowered:
.L_overlay_start_2:
0x140: {  	(tag) =	ssettag $0x2  }
0x141: {  	s0 =	rddreg [dreg:$0x0];
	s2 =	stileid.u32  }
0x142: {  	s1 =	rddreg [dreg:$0x1];
	p0 =	sne.s32 s2, $0x0  }
0x143: {  	s3 =	rddreg [dreg:$0x2];
	[bflag:$0x3] =	sbarrier.arrive $0xFFFF;
	s2 =	simm.s32 @!p0 $0x1C02  }
0x144: {  	[timem:s3], [sflag:s2] =	dma.local @!p0 [hbm:s0], s1  }
0x145: {  	s0 =	simm.s32 @!p0 $0x2  }
0x146: {  	_ =	swait.ge @!p0 [sflag:s0], s1  }
0x147: {  	s1 =	ssub.s32 @!p0 $0x0, s1;
	[sflag:s0] =	ssyncset.done @!p0 $0x0  }
0x148: {  	[sflag:s0] =	ssyncadd.s32 @!p0 s1  }
0x149: {  	[bflag:$0x3] =	sbarrier.arrive $0xFFFF  }
0x14a: {  	_ =	shalt  }

// kernel: kernel.8.cloned.1.call-start
scs
__scs_entry_jumppad:
0x0: {  	(pc) =	sbr.rel $0x88, $3  }
0x1: {  	(tag) =	ssettag $0x0;
	lr =	simm.s32 $0x1  }
0x2: {  	[smem:$0x3F9D] =	sst lr;
	_ =	strace $0xD0000000  }
0x3: {  	_ = 	snop  }
0x4: {  	_ = 	snop  }
0x5: {  	_ = 	snop  }
0x6: {  	_ = 	snop  }
0x7: {  	_ = 	snop  }
__scs_overlays_trampoline_lowered:
0x8: {  	[smem:$0x3FAC] =	sst s0  }
0x9: {  	[smem:$0x3FAD] =	sst s1  }
0xa: {  	[smem:$0x3FAE] =	sst s2  }
0xb: {  	[smem:$0x3FAF] =	sst s3  }
0xc: {  	[smem:$0x3FB0] =	sst s4  }
0xd: {  	[smem:$0x3FB1] =	sst s5  }
0xe: {  	[smem:$0x3FB2] =	sst s6  }
0xf: {  	[smem:$0x3FB3] =	sst s7  }
0x10: {  	[smem:$0x3FB4] =	sst s8  }
0x11: {  	[smem:$0x3FB5] =	sst s9;
	s0 =	simm.s32 @!p0 $0x0  }
0x12: {  	s1 =	sld [smem:$0x3F9B];
	s0 =	simm.s32 @p0 $0x1  }
0x13: {  	[smem:$0x3FB6] =	sst s0;
	s0 =	simm.s32 @!p1 $0x0  }
0x14: {  	s2 =	sld [smem:$0x3F9A];
	s0 =	simm.s32 @p1 $0x1  }
0x15: {  	[smem:$0x3FB7] =	sst s0;
	s0 =	simm.s32 @!p2 $0x0  }
0x16: {  	s3 =	sld [smem:$0x3FDB];
	s0 =	simm.s32 @p2 $0x1  }
0x17: {  	s4 =	simm.s32 $0x1BF5;
	[smem:$0x3FB9] =	sst s0  }
0x18: {  	s0 =	sld [smem:$0x3F9C];
	_ =	swait.ge [sflag:s4], $0x0  }
0x19: {  	s7 =	sld [smem:$0x3F9D]  }
0x1a: {  	s8 =	sadd.s32 $0xFFFFE003, lr  }
0x1b: {  	s9 =	sadd.s32 $0xFFFFFEF7, lr;
	s5 =	simm.s32 $0xFFFFFFFF;
	p2 =	slt.u32 s8, $0xFFFFF086  }
0x1c: {  	p1 =	slt.u32 s9, $0xF7A;
	s5 =	simm.s32 @!p2 $0x0  }
0x1d: {  	s5 =	simm.s32 @p1 $0x1;
	p0 =	seq.s32 s7, s2  }
0x1e: {  	s7 =	smul.u32 @!p0 $0xF7A, s2;
	p2 =	seq.s32 @!p0 s5, $0x0  }
0x1f: {  	s9 =	smul.u32 $0xF7A, s1;
	s8 =	simm.s32 @!p0 $0x1BF5;
	p2 =	por !p2, p0  }
0x20: {  	[sflag:s8] =	ssyncset.s32 @!p0 $0xFFFFF086;
	s6 =	sadd.s32 @!p0 s3, s7;
	s7 =	simm.s32 @!p0 $0x108  }
0x21: {  	s3 =	sadd.s32 s3, s9;
	s6 =	sadd.s32 @!p0 $0x88, s6;
	s7 =	simm.s32 @p2 $0x1082  }
0x22: {  	[simem:s7], [sflag:s8] =	dma.local @!p0 [hbm:s6], $0xF7A  }
0x23: {  	s9 =	sor.u32 $0xD0000000, s2;
	s6 =	simm.s32 $0x108;
	_ =	swait.ge @!p0 [sflag:s8], $0x0  }
0x24: {  	s3 =	sadd.s32 $0x88, s3;
	s6 =	simm.s32 @!p1 $0x1082;
	[sflag:s4] =	ssyncset.s32 $0xFFFFF086  }
0x25: {  	[simem:s6], [sflag:s4] =	dma.local [hbm:s3], $0xF7A  }
0x26: {  	[smem:$0x3F9D] =	sst s1;
	(tag) =	ssettag s2;
	_ =	strace s9  }
0x27: {  	s1 =	sld [smem:$0x3FAD]  }
0x28: {  	s2 =	sld [smem:$0x3FAE]  }
0x29: {  	s4 =	sld [smem:$0x3FB0]  }
0x2a: {  	p0 =	seq.s32 s5, $0x0;
	s5 =	sld [smem:$0x3FB1]  }
0x2b: {  	s6 =	sld [smem:$0x3FB2]  }
0x2c: {  	s7 =	sld [smem:$0x3FB3]  }
0x2d: {  	s3 =	simm.s32 $0x108;
	s8 =	sld [smem:$0x3FB4]  }
0x2e: {  	s3 =	simm.s32 @!p0 $0x1082;
	s9 =	sld [smem:$0x3FB5]  }
0x2f: {  	lr =	sadd.s32 s0, s3;
	s0 =	sld [smem:$0x3FAC]  }
0x30: {  	s3 =	sld [smem:$0x3FAF]  }
0x31: {  	[smem:$0x3FB8] =	sst s10  }
0x32: {  	s10 =	sld [smem:$0x3FB6];
	_ =	sdelay $0x3  }
0x33: {  	p0 =	seq.s32 s10, $0x1;
	s10 =	sld [smem:$0x3FB8];
	_ =	sdelay $0x3  }
0x34: {  	[smem:$0x3FB8] =	sst s10  }
0x35: {  	s10 =	sld [smem:$0x3FB7];
	_ =	sdelay $0x3  }
0x36: {  	p1 =	seq.s32 s10, $0x1;
	s10 =	sld [smem:$0x3FB8];
	_ =	sdelay $0x3  }
0x37: {  	[smem:$0x3FB8] =	sst s10  }
0x38: {  	s10 =	sld [smem:$0x3FB9]  }
0x39: {  	_ = 	snop;
	(pc) =	sbr.ind lr, $3  }
0x3a: {  	_ = 	snop  }
0x3b: {  	_ = 	snop  }
0x3c: {  	p2 =	seq.s32 s10, $0x1;
	s10 =	sld [smem:$0x3FB8]  }
0x3d: {  	_ =	shalt  }
0x3e: {  	_ =	shalt  }
0x3f: {  	_ =	shalt  }
0x40: {  	_ =	shalt  }
0x41: {  	_ =	shalt  }
0x42: {  	_ =	shalt  }
0x43: {  	_ =	shalt  }
0x44: {  	_ =	shalt  }
0x45: {  	_ =	shalt  }
0x46: {  	_ =	shalt  }
0x47: {  	_ =	shalt  }
0x48: {  	_ =	shalt  }
0x49: {  	_ =	shalt  }
0x4a: {  	_ =	shalt  }
0x4b: {  	_ =	shalt  }
0x4c: {  	_ =	shalt  }
0x4d: {  	_ =	shalt  }
0x4e: {  	_ =	shalt  }
0x4f: {  	_ =	shalt  }
0x50: {  	_ =	shalt  }
0x51: {  	_ =	shalt  }
0x52: {  	_ =	shalt  }
0x53: {  	_ =	shalt  }
0x54: {  	_ =	shalt  }
0x55: {  	_ =	shalt  }
0x56: {  	_ =	shalt  }
0x57: {  	_ =	shalt  }
0x58: {  	_ =	shalt  }
0x59: {  	_ =	shalt  }
0x5a: {  	_ =	shalt  }
0x5b: {  	_ =	shalt  }
0x5c: {  	_ =	shalt  }
0x5d: {  	_ =	shalt  }
0x5e: {  	_ =	shalt  }
0x5f: {  	_ =	shalt  }
0x60: {  	_ =	shalt  }
0x61: {  	_ =	shalt  }
0x62: {  	_ =	shalt  }
0x63: {  	_ =	shalt  }
0x64: {  	_ =	shalt  }
0x65: {  	_ =	shalt  }
0x66: {  	_ =	shalt  }
0x67: {  	_ =	shalt  }
0x68: {  	_ =	shalt  }
0x69: {  	_ =	shalt  }
0x6a: {  	_ =	shalt  }
0x6b: {  	_ =	shalt  }
0x6c: {  	_ =	shalt  }
0x6d: {  	_ =	shalt  }
0x6e: {  	_ =	shalt  }
0x6f: {  	_ =	shalt  }
0x70: {  	_ =	shalt  }
0x71: {  	_ =	shalt  }
0x72: {  	_ =	shalt  }
0x73: {  	_ =	shalt  }
0x74: {  	_ =	shalt  }
0x75: {  	_ =	shalt  }
0x76: {  	_ =	shalt  }
0x77: {  	_ =	shalt  }
0x78: {  	_ =	shalt  }
0x79: {  	_ =	shalt  }
0x7a: {  	_ =	shalt  }
0x7b: {  	_ =	shalt  }
0x7c: {  	_ =	shalt  }
0x7d: {  	_ =	shalt  }
0x7e: {  	_ =	shalt  }
0x7f: {  	_ =	shalt  }
0x80: {  	_ =	shalt  }
0x81: {  	_ =	shalt  }
0x82: {  	_ =	shalt  }
0x83: {  	_ =	shalt  }
0x84: {  	_ =	shalt  }
0x85: {  	_ =	shalt  }
0x86: {  	_ =	shalt  }
0x87: {  	_ =	shalt  }
.Lfunc_end0:
.L_simem_size_0:
called_computation.1_lowered:
.L_overlay_start_0:
0x88: {  	s2 =	sld [smem:$0x3FD9]  }
0x89: {  	s3 =	sld [smem:$0x3FFE];
	_ =	sdelay $0x1  }
0x8a: {  	s1 =	srdreg.scid  }
0x8b: {  	s0 =	sand.u32 $0x1, s1  }
0x8c: {  	s17 =	sshll.u32 s0, $0xA;
	s2 =	sadd.s32 s3, s2  }
0x8d: {  	s2 =	sadd.s32 s2, s17  }
0x8e: {  	[smem:$0x3FC4] =	sst s2  }
0x8f: {  	_ = 	snop  }
0x90: {  	s2 =	sld [smem:$0x3FD0];
	(tm) =	ssettm $0x1  }
0x91: {  	s18 =	sld [smem:$0x3FFB];
	_ =	sdelay $0x3  }
0x92: {  	_ =	strace s18  }
0x93: {  	s3 =	sld [smem:$0x3FFC];
	_ =	sdelay $0x3  }
0x94: {  	_ =	strace s3  }
0x95: {  	s3 =	sld [smem:$0x3FFD];
	_ =	sdelay $0x3  }
0x96: {  	_ =	strace s3  }
0x97: {  	_ =	strace $0x8FFFFFFF  }
0x98: {  	s19 =	sld [smem:$0x3FDB];
	_ =	sdelay $0x1  }
0x99: {  	s4 =	simm.s32 $_scs_section_size  }
0x9a: {  	s5 =	simm.s32 $_size__tile_overlayer_lowered;
	s6 =	simm.s32 $_tile_overlayer_lowered  }
0x9b: {  	s22 =	simm.s32 $0x1BFF;
	s21 =	sshll.u32 s6, $0x1;
	s3 =	sadd.s32 s4, s19  }
0x9c: {  	s7 =	simm.s32 $0x0;
	s20 =	sshll.u32 s5, $0x1;
	s5 =	sadd.s32 s21, s3  }
0x9d: {  	[timem:s7], [sflag:s22] =	dma.local [hbm:s5], s20  }
0x9e: {  	_ =	swait.ge [sflag:s22], s20  }
0x9f: {  	s4 =	ssub.s32 $0x0, s20;
	[sflag:s22] =	ssyncset.done $0x0  }
0xa0: {  	[sflag:s22] =	ssyncadd.s32 s4;
	_ =	sdelay $0x1  }
0xa1: {  	s23 =	simm.s32 $0x1B8B  }
0xa2: {  	_ =	swait.ge [sflag:s23], $0x1  }
0xa3: {  	[sflag:s23] =	ssyncset.done $0x0  }
0xa4: {  	s25 =	simm.s32 $0x1B8E;
	s24 =	sld [smem:$0x3FFE];
	[sflag:s23] =	ssyncadd.s32 $0xFFFFFFFF  }
0xa5: {  	s26 =	simm.s32 $execute0_lowered;
	[smem:$0x3FD2] =	sst s25  }
0xa6: {  	s5 =	sshll.u32 s26, $0x1;
	_ =	strace $0x80000049;
	[dreg:$0x1] =	wrdreg $0xFFFFFFFF  }
0xa7: {  	s28 =	simm.s32 $_size_execute0_lowered;
	s3 =	sadd.s32 s3, s5;
	[dreg:$0x0] =	wrdreg $0x0  }
0xa8: {  	s5 =	sshll.u32 s28, $0x1;
	[dreg:$0x2] =	wrdreg s3  }
0xa9: {  	[dreg:$0x3] =	wrdreg s5  }
0xaa: {  	[dreg:$0x4] =	wrdreg $0xC0  }
0xab: {  	_ =	task [dreg:s7], $0x5FFFF  }
0xac: {  	[dreg:$0x1] =	wrdreg $0xFFFFFFFF  }
0xad: {  	[dreg:$0x0] =	wrdreg $0x60  }
0xae: {  	[dreg:$0x2] =	wrdreg s24  }
0xaf: {  	[dreg:$0x3] =	wrdreg s2  }
0xb0: {  	[dreg:$0x4] =	wrdreg $0x0  }
0xb1: {  	[dreg:$0x5] =	wrdreg $0x9  }
0xb2: {  	_ =	task.clear_ibuf [dreg:s7], $0x6FFFF;
	_ =	strace $0x90000049  }
0xb3: {  	s29 =	simm.s32 $0x9;
	_ =	strace $0x8000004B  }
0xb4: {  	_ =	swait.ge [sflag:s29], $0x1  }
0xb5: {  	[sflag:s29] =	ssyncadd.s32 $0xFFFFFFFF  }
0xb6: {  	_ =	strace $0x9000004B  }
0xb7: {  	_ =	sfence  }
0xb8: {  	s30 =	sld [smem:$0x0];
	_ =	sdelay $0x2  }
0xb9: {  	s31 =	sshll.u32 s1, $0xD;
	s1 =	sshrl.u32 s1, $0x2  }
0xba: {  	s3 =	sand.u32 $0x4000, s31;
	s1 =	sadd.s32 s1, s30  }
0xbb: {  	s0 =	sor.u32 s3, s0;
	s1 =	sshll.u32 s1, $0x11  }
0xbc: {  	s0 =	sor.u32 s1, s0  }
0xbd: {  	s0 =	sadd.s32 $0x8F2B, s0  }
0xbe: {  	[sflag:s0] =	ssyncadd.remote.s32 $0x1  }
0xbf: {  	_ =	sfence.sel $0xFFFF  }
0xc0: {  	[dreg:$0x0] =	wrdreg $0xFFFFFFFF;
	(pc) =	sbr.abs _section_cstart, $3  }
0xc1: {  	[dreg:$0x1] =	wrdreg $0xFFFFFFFF  }
0xc2: {  	_ =	task.clear_ibuf [dreg:s7], $0x2FFFF;
	_ =	strace $0x9FFFFFFF  }
0xc3: {  	(tm) =	ssettm $0x7FFFFFFF  }
tec
execute0_lowered:
.L_overlay_start_1:
0x0: {  	(tag) =	ssettag $0x1  }
0x1: {  	s0 =	rddreg [dreg:$0x0]  }
0x2: {  	s2 =	rddreg [dreg:$0x1]  }
0x3: {  	s1 =	rddreg [dreg:$0x2];
	s3 =	simm.s32 $0x0;
	s4 =	srdreg.scid  }
0x4: {  	s12 =	stileid.u32;
	s30 =	simm.s32 $0xC900;
	s31 =	simm.s32 $0xED00  }
0x5: {  	s13 =	simm.s32 $0x12D00;
	s14 =	simm.s32 $0xCB80;
	s9 =	smul.u32 $0x640, s12  }
0x6: {  	[smem:$0x7FF] =	sst s3;
	s6 =	sand.u32 $0x1, s4;
	s11 =	smul.u32 $0x32000, s12  }
0x7: {  	s4 =	sadd.s32 $0x1000, s0;
	s5 =	sadd.s32 $0x65000, s0;
	s8 =	smul.u32 $0x61A8, s6  }
0x8: {  	p0 =	seq.s32 s12, $0xF;
	_ =	strace $0x8000004A;
	s16 =	smul.u32 $0xC3500, s6  }
0x9: {  	s7 =	ssub.s32 $0x2, s6;
	s6 =	smul.u32 $0x1900, s12;
	s12 =	simm.s32 $0xCB00  }
0xa: {  	s10 =	sshrl.u32 s7, $0x1;
	s17 =	sshrl.u32 s11, $0x2;
	s11 =	simm.s32 $0x11D00  }
0xb: {  	s15 =	ssub.s32 s7, s10;
	s18 =	sadd.s32 $0x61A8, s8;
	s28 =	sadd.s32 s17, s1  }
0xc: {  	s9 =	sadd.s32 s9, s8;
	s0 =	smax.u32 s15, $0x1;
	[dreg:$0x5] =	wrdreg s28  }
0xd: {  	s7 =	sshrl.u32 s16, $0x3;
	s19 =	sadd.s32 $0x1400, s28;
	[dreg:$0x7] =	wrdreg s0  }
0xe: {  	s10 =	simm.s32 $0xCA80;
	s20 =	sadd.s32 $0x2800, s28;
	[dreg:$0x8] =	wrdreg s19  }
0xf: {  	s16 =	simm.s32 $0xCC00;
	s21 =	sadd.s32 $0x3C00, s28;
	[dreg:$0x9] =	wrdreg s20  }
0x10: {  	s17 =	simm.s32 $0x14D00;
	s22 =	sadd.s32 $0x5000, s28;
	[dreg:$0xa] =	wrdreg s21  }
0x11: {  	s9 =	sshll.u32 s9, $0x2;
	s23 =	sadd.s32 $0x6400, s28;
	[dreg:$0xb] =	wrdreg s22  }
0x12: {  	s24 =	sadd.s32 $0x7800, s28;
	s25 =	sadd.s32 $0x8C00, s28;
	[dreg:$0xc] =	wrdreg s23  }
0x13: {  	s26 =	sadd.s32 $0xA000, s28;
	s29 =	sadd.s32 $0xB400, s28;
	[dreg:$0xd] =	wrdreg s24  }
0x14: {  	s15 =	simm.s32 $0x13D00;
	v1 =	vmov s18;
	s18 =	simm.s32 $0xCC80;
	[dreg:$0xe] =	wrdreg s25  }
0x15: {  	s9 =	sadd.s32 s2, s9;
	s2 =	sadd.s32 s2, s7;
	[dreg:$0xf] =	wrdreg s26  }
0x16: {  	[dreg:$0x10] =	wrdreg s29;
	s21 =	simm.s32 $0x1;
	s22 =	simm.s32 $0xC800  }
0x17: {  	s24 =	simm.s32 $0x2;
	s25 =	simm.s32 $0xCD00;
	s26 =	simm.s32 $0x80  }
0x18: {  	s7 =	simm.s32 $0xCA00;
	s19 =	simm.s32 $0x15D00;
	s2 =	sadd.s32 $0x17700, s2  }
0x19: {  	s23 =	simm.s32 $0x0;
	[dreg:$0x6] =	wrdreg s2;
	s2 =	sadd.s32 $0xBB800, s1  }
0x1a: {  	[dreg:$0x4] =	wrdreg s9;
	s9 =	simm.s32 $0x10D00;
	s0 =	sshrl.u32 @p0 s2, $0x3  }
0x1b: {  	v2 =	vimm.f32 $0.0e+00;
	v0 =	vmov s8;
	s2 =	simm.s32 $0xFD00;
	[dreg:$0x11] =	wrdreg s0;
	s0 =	simm.s32 $0xC980  }
.LBB2_1:
0x1c: {  	[dreg:$0x12] =	wrdreg s23;
	s8 =	simm.s32 $0x80;
	s20 =	simm.s32 $0x0  }
.LBB2_2:
0x1d: {  	p1 =	sne.s32 s8, $0x4F80;
	[tilespmem:s20+$0x16D00] =	vst v2;
	s23 =	smov.u32 s8;
	s8 =	sadd.s32 $0x80, s8  }
.Ltmp0:
0x1e: {  	[tilespmem:s20+$0x16D10] =	vst v2;
	(pc) =	sbr.rel @p1 .LBB2_2-.Ltmp0, $2  }
0x1f: {  	_ =	sdelay $0x2  }
0x20: {  	s20 =	sshra.s32 s23, $0x2  }
0x21: {  	[tilespmem:s20+$0x16D00] =	vst v2  }
0x22: {  	[tilespmem:s20+$0x16D10] =	vst v2;
	s20 =	simm.s32 $0x16D00  }
0x23: {  	[spmem:s28] =	stream.linear.scatter [tilespmem:s20], [sflag:$0x1], $0x1400, $0x38;
	[tilespmem:$0x18100] =	vst v63  }
0x24: {  	s8 =	rddreg [dreg:$0x8]  }
0x25: {  	[spmem:s8] =	stream.linear.scatter [tilespmem:s20], [sflag:$0x1], $0x1400, $0x38;
	[tilespmem:$0x18100] =	vst v63  }
0x26: {  	s28 =	rddreg [dreg:$0x9]  }
0x27: {  	[spmem:s28] =	stream.linear.scatter [tilespmem:s20], [sflag:$0x1], $0x1400, $0x38;
	[tilespmem:$0x18100] =	vst v63  }
0x28: {  	s29 =	rddreg [dreg:$0xa]  }
0x29: {  	[spmem:s29] =	stream.linear.scatter [tilespmem:s20], [sflag:$0x1], $0x1400, $0x38;
	[tilespmem:$0x18100] =	vst v63  }
0x2a: {  	s23 =	rddreg [dreg:$0xb]  }
0x2b: {  	[spmem:s23] =	stream.linear.scatter [tilespmem:s20], [sflag:$0x1], $0x1400, $0x38;
	[tilespmem:$0x18100] =	vst v63  }
0x2c: {  	s28 =	rddreg [dreg:$0xc]  }
0x2d: {  	[spmem:s28] =	stream.linear.scatter [tilespmem:s20], [sflag:$0x1], $0x1400, $0x38;
	[tilespmem:$0x18100] =	vst v63  }
0x2e: {  	s29 =	rddreg [dreg:$0xd]  }
0x2f: {  	[spmem:s29] =	stream.linear.scatter [tilespmem:s20], [sflag:$0x1], $0x1400, $0x38;
	[tilespmem:$0x18100] =	vst v63  }
0x30: {  	s23 =	rddreg [dreg:$0xe]  }
0x31: {  	[spmem:s23] =	stream.linear.scatter [tilespmem:s20], [sflag:$0x1], $0x1400, $0x38;
	[tilespmem:$0x18100] =	vst v63  }
0x32: {  	s28 =	rddreg [dreg:$0xf]  }
0x33: {  	[spmem:s28] =	stream.linear.scatter [tilespmem:s20], [sflag:$0x1], $0x1400, $0x38;
	[tilespmem:$0x18100] =	vst v63  }
0x34: {  	s29 =	rddreg [dreg:$0x10]  }
0x35: {  	[spmem:s29] =	stream.linear.scatter [tilespmem:s20], [sflag:$0x1], $0x1400, $0x38;
	[tilespmem:$0x18100] =	vst v63  }
0x36: {  	_ =	swait.ge [sflag:s21], $0x1400  }
0x37: {  	[sflag:s21] =	ssyncset.done $0x0  }
0x38: {  	[sflag:s21] =	ssyncadd.s32 $0xFFFFEC00  }
0x39: {  	_ =	swait.ge [sflag:s21], $0x1400  }
0x3a: {  	[sflag:s21] =	ssyncset.done $0x0  }
0x3b: {  	[sflag:s21] =	ssyncadd.s32 $0xFFFFEC00  }
0x3c: {  	_ =	swait.ge [sflag:s21], $0x1400  }
0x3d: {  	[sflag:s21] =	ssyncset.done $0x0  }
0x3e: {  	[sflag:s21] =	ssyncadd.s32 $0xFFFFEC00  }
0x3f: {  	_ =	swait.ge [sflag:s21], $0x1400  }
0x40: {  	[sflag:s21] =	ssyncset.done $0x0  }
0x41: {  	[sflag:s21] =	ssyncadd.s32 $0xFFFFEC00  }
0x42: {  	_ =	swait.ge [sflag:s21], $0x1400  }
0x43: {  	[sflag:s21] =	ssyncset.done $0x0  }
0x44: {  	[sflag:s21] =	ssyncadd.s32 $0xFFFFEC00  }
0x45: {  	_ =	swait.ge [sflag:s21], $0x1400  }
0x46: {  	[sflag:s21] =	ssyncset.done $0x0  }
0x47: {  	[sflag:s21] =	ssyncadd.s32 $0xFFFFEC00  }
0x48: {  	_ =	swait.ge [sflag:s21], $0x1400  }
0x49: {  	[sflag:s21] =	ssyncset.done $0x0  }
0x4a: {  	[sflag:s21] =	ssyncadd.s32 $0xFFFFEC00  }
0x4b: {  	_ =	swait.ge [sflag:s21], $0x1400  }
0x4c: {  	[sflag:s21] =	ssyncset.done $0x0  }
0x4d: {  	[sflag:s21] =	ssyncadd.s32 $0xFFFFEC00  }
0x4e: {  	_ =	swait.ge [sflag:s21], $0x1400  }
0x4f: {  	[sflag:s21] =	ssyncset.done $0x0  }
0x50: {  	[sflag:s21] =	ssyncadd.s32 $0xFFFFEC00  }
0x51: {  	_ =	swait.ge [sflag:s21], $0x1400  }
0x52: {  	[sflag:s21] =	ssyncset.done $0x0  }
0x53: {  	[sflag:s21] =	ssyncadd.s32 $0xFFFFEC00  }
0x54: {  	s8 =	simm.s32 $0x0;
	[bflag:$0x0] =	sbarrier.arrive $0xFFFF  }
.LBB2_4:
0x55: {  	s20 =	smul.u32 $0x500, s8;
	_ =	sdelay $0x1  }
0x56: {  	s20 =	sadd.s32 s6, s20  }
0x57: {  	s23 =	sshrl.u32 s20, $0x3  }
0x58: {  	s23 =	sadd.s32 s5, s23  }
0x59: {  	[tilespmem:s22], [sflag:$0x2] =	stream.linear.gather [hbm4b:s23+s3], $0x500, $0x38;
	[tilespmem:$0x18100] =	vst v63  }
0x5a: {  	_ =	swait.ge [sflag:s24], $0x500  }
0x5b: {  	s20 =	sshll.u32 s20, $0x2;
	[sflag:s24] =	ssyncset.done $0x0  }
0x5c: {  	s20 =	sadd.s32 s4, s20;
	[sflag:s24] =	ssyncadd.s32 $0xFFFFFB00  }
0x5d: {  	[tilespmem:s25], [sflag:$0x2] =	stream.linear.gather [hbm4b:s20+s3], $0xA000, $0x38;
	[tilespmem:$0x18100] =	vst v63  }
0x5e: {  	_ =	swait.ge [sflag:s24], $0xA000  }
0x5f: {  	[sflag:s24] =	ssyncset.done $0x0  }
0x60: {  	s23 =	simm.s32 $0x70;
	[sflag:s24] =	ssyncadd.s32 $0xFFFF6000  }
0x61: {  	v3 =	vld [tilespmem:s23+$0xC7D0]  }
0x62: {  	v4 =	vld [tilespmem:s23+$0xC800];
	_ =	sdelay $0x2  }
0x63: {  	v5 =	vld [tilespmem:s23+$0xC7C0];
	_ =	sdelay $0x1  }
0x64: {  	vm0 =	vge.s32 v4, v0;
	vm1 =	vge.s32 v3, v0  }
0x65: {  	v6 =	vsub.s32 v3, v0;
	vm2 =	vlt.s32 v4, v1;
	vm3 =	vlt.s32 v3, v1  }
0x66: {  	v7 =	vand.u32 $0x1FF, v4;
	v3 =	vand.u32 $0x1FF, v3;
	v4 =	vsub.s32 v4, v0  }
0x67: {  	v8 =	vand.u32 $0x1FF, v5;
	vm0 =	vmand vm0, vm2;
	v7 =	vadd.s32 $0x61A8, v7  }
0x68: {  	v3 =	vadd.s32 $0x61A8, v3;
	v4 =	vsel vm0, v4, v7;
	vm0 =	vmand vm1, vm3  }
0x69: {  	v9 =	vld [tilespmem:s23+$0xC7A0];
	vm1 =	vlt.s32 v5, v1;
	[tilespmem:s23+$0xC800] =	vst v4;
	v3 =	vsel vm0, v6, v3;
	vm0 =	vge.s32 v5, v0  }
0x6a: {  	v4 =	vadd.s32 $0x61A8, v8;
	[tilespmem:s23+$0xC7D0] =	vst v3;
	vm0 =	vmand vm0, vm1;
	v3 =	vsub.s32 v5, v0  }
0x6b: {  	s20 =	simm.s32 $0xF0;
	v3 =	vsel vm0, v3, v4  }
0x6c: {  	v6 =	vld [tilespmem:s20+$0xC7D0];
	[tilespmem:s23+$0xC7C0] =	vst v3  }
0x6d: {  	v7 =	vld [tilespmem:s20+$0xC800]  }
0x6e: {  	vm1 =	vlt.s32 v9, v1;
	vm0 =	vge.s32 v9, v0;
	v3 =	vand.u32 $0x1FF, v9  }
0x6f: {  	v5 =	vsub.s32 v9, v0;
	vm0 =	vmand vm0, vm1;
	v4 =	vadd.s32 $0x61A8, v3;
	v3 =	vld [tilespmem:s20+$0xC7C0]  }
0x70: {  	v4 =	vsel vm0, v5, v4  }
0x71: {  	v5 =	vld [tilespmem:s23+$0xC7B0];
	vm1 =	vge.s32 v6, v0;
	v8 =	vsub.s32 v6, v0;
	v11 =	vand.u32 $0x1FF, v6  }
0x72: {  	[tilespmem:s23+$0xC7A0] =	vst v4;
	v4 =	vld [tilespmem:s23+$0xC7E0];
	vm3 =	vlt.s32 v6, v1;
	v13 =	vadd.s32 $0x61A8, v11;
	vm0 =	vge.s32 v7, v0  }
0x73: {  	v6 =	vld [tilespmem:s23+$0xC7F0];
	vm2 =	vlt.s32 v7, v1;
	v9 =	vand.u32 $0x1FF, v7;
	v7 =	vsub.s32 v7, v0  }
0x74: {  	v10 =	vld [tilespmem:s20+$0xC7A0];
	v12 =	vand.u32 $0x1FF, v3;
	vm0 =	vmand vm0, vm2;
	v9 =	vadd.s32 $0x61A8, v9  }
0x75: {  	vm4 =	vge.s32 v3, v0;
	v7 =	vsel vm0, v7, v9;
	vm0 =	vmand vm1, vm3  }
0x76: {  	vm2 =	vlt.s32 v3, v1;
	v11 =	vadd.s32 $0x61A8, v12;
	[tilespmem:s20+$0xC800] =	vst v7;
	v8 =	vsel vm0, v8, v13  }
0x77: {  	vm3 =	vlt.s32 v5, v1;
	v9 =	vand.u32 $0x1FF, v5;
	vm1 =	vge.s32 v4, v0;
	[tilespmem:s20+$0xC7D0] =	vst v8  }
0x78: {  	vm4 =	vmand vm4, vm2;
	v7 =	vadd.s32 $0x61A8, v9;
	vm0 =	vge.s32 v6, v0;
	v9 =	vld [tilespmem:s23+$0xC790]  }
0x79: {  	s28 =	simm.s32 $0x5C0;
	v12 =	vand.u32 $0x1FF, v10;
	vm2 =	vlt.s32 v6, v1;
	v8 =	vsub.s32 v4, v0  }
.LBB2_5:
0x7a: {  	s29 =	sshra.s32 s28, $0x2;
	p1 =	sne.s32 s28, $0x13C0;
	s28 =	sadd.s32 $0x200, s28;
	vm5 =	vge.s32 v10, v0;
	vm6 =	vlt.s32 v10, v1;
	v13 =	vsub.s32 v6, v0  }
0x7b: {  	v12 =	vadd.s32 $0x61A8, v12;
	v3 =	vsub.s32 v3, v0;
	vm7 =	vge.s32 v5, v0  }
0x7c: {  	v10 =	vsub.s32 v10, v0;
	v3 =	vsel vm4, v3, v11;
	vm3 =	vmand vm7, vm3;
	v14 =	vld [tilespmem:s29+$0xC7D0]  }
0x7d: {  	v5 =	vsub.s32 v5, v0;
	v11 =	vand.u32 $0x1FF, v4;
	[tilespmem:s20+$0xC7C0] =	vst v3;
	vm4 =	vge.s32 v9, v0  }
0x7e: {  	v6 =	vand.u32 $0x1FF, v6;
	v16 =	vand.u32 $0x1FF, v9;
	v17 =	vsub.s32 v9, v0;
	v15 =	vld [tilespmem:s29+$0xC800]  }
0x7f: {  	vm5 =	vmand vm5, vm6;
	vm7 =	vlt.s32 v4, v1;
	vm6 =	vlt.s32 v9, v1  }
0x80: {  	v6 =	vadd.s32 $0x61A8, v6;
	v4 =	vsel vm5, v10, v12;
	vm1 =	vmand vm1, vm7;
	v3 =	vld [tilespmem:s29+$0xC7C0]  }
0x81: {  	vm0 =	vmand vm0, vm2;
	vm4 =	vmand vm4, vm6;
	[tilespmem:s20+$0xC7A0] =	vst v4;
	v4 =	vadd.s32 $0x61A8, v11  }
0x82: {  	v5 =	vsel vm3, v5, v7;
	v9 =	vadd.s32 $0x61A8, v16;
	v4 =	vsel vm1, v8, v4  }
0x83: {  	v6 =	vsel vm0, v13, v6;
	v7 =	vsel vm4, v17, v9;
	vm1 =	vge.s32 v15, v0;
	[tilespmem:s23+$0xC7B0] =	vst v5  }
0x84: {  	vm0 =	vge.s32 v14, v0;
	v8 =	vsub.s32 v14, v0;
	vm2 =	vlt.s32 v15, v1;
	v5 =	vld [tilespmem:s20+$0xC7B0];
	[tilespmem:s23+$0xC7E0] =	vst v4  }
0x85: {  	vm3 =	vlt.s32 v14, v1;
	v9 =	vand.u32 $0x1FF, v15;
	vm1 =	vmand vm1, vm2;
	v4 =	vld [tilespmem:s20+$0xC7E0];
	[tilespmem:s23+$0xC7F0] =	vst v6  }
0x86: {  	v11 =	vand.u32 $0x1FF, v14;
	v12 =	vsub.s32 v15, v0;
	v9 =	vadd.s32 $0x61A8, v9;
	v6 =	vld [tilespmem:s20+$0xC7F0];
	[tilespmem:s23+$0xC790] =	vst v7;
	s23 =	smov.u32 s20;
	s20 =	smov.u32 s29  }
0x87: {  	v13 =	vadd.s32 $0x61A8, v11;
	v9 =	vsel vm1, v12, v9;
	v7 =	vand.u32 $0x1FF, v3;
	v10 =	vld [tilespmem:s20+$0xC7A0]  }
.Ltmp1:
0x88: {  	vm0 =	vmand vm0, vm3;
	vm2 =	vlt.s32 v3, v1;
	[tilespmem:s20+$0xC800] =	vst v9;
	(pc) =	sbr.rel @p1 .LBB2_5-.Ltmp1, $4  }
0x89: {  	v11 =	vadd.s32 $0x61A8, v7;
	vm3 =	vlt.s32 v5, v1;
	v7 =	vand.u32 $0x1FF, v5  }
0x8a: {  	v8 =	vsel vm0, v8, v13;
	v7 =	vadd.s32 $0x61A8, v7;
	vm1 =	vge.s32 v4, v0  }
0x8b: {  	vm4 =	vge.s32 v3, v0;
	[tilespmem:s20+$0xC7D0] =	vst v8;
	v9 =	vld [tilespmem:s23+$0xC790];
	v8 =	vsub.s32 v4, v0;
	vm0 =	vge.s32 v6, v0  }
0x8c: {  	vm4 =	vmand vm4, vm2;
	vm2 =	vlt.s32 v6, v1;
	v12 =	vand.u32 $0x1FF, v10  }
0x8d: {  	vm5 =	vge.s32 v10, v0  }
0x8e: {  	vm6 =	vlt.s32 v10, v1;
	v12 =	vadd.s32 $0x61A8, v12;
	v3 =	vsub.s32 v3, v0  }
0x8f: {  	vm7 =	vge.s32 v5, v0;
	v46 =	vsub.s32 v10, v0;
	v48 =	vand.u32 $0x1FF, v4  }
0x90: {  	vm9 =	vlt.s32 v4, v1;
	v3 =	vsel vm4, v3, v11;
	vm8 =	vmand vm5, vm6  }
0x91: {  	vm3 =	vmand vm7, vm3;
	[tilespmem:s20+$0xC7C0] =	vst v3;
	v3 =	vsub.s32 v5, v0;
	v47 =	vsel vm8, v46, v12  }
0x92: {  	vm1 =	vmand vm1, vm9;
	v49 =	vadd.s32 $0x61A8, v48;
	[tilespmem:s20+$0xC7A0] =	vst v47;
	v3 =	vsel vm3, v3, v7  }
0x93: {  	v50 =	vand.u32 $0x1FF, v6;
	vm0 =	vmand vm0, vm2;
	v4 =	vsel vm1, v8, v49;
	[tilespmem:s23+$0xC7B0] =	vst v3  }
0x94: {  	v5 =	vadd.s32 $0x61A8, v50;
	vm10 =	vge.s32 v9, v0;
	v3 =	vsub.s32 v6, v0;
	v51 =	vld [tilespmem:s20+$0xC7B0];
	[tilespmem:s23+$0xC7E0] =	vst v4  }
0x95: {  	v52 =	vand.u32 $0x1FF, v9;
	vm11 =	vlt.s32 v9, v1;
	v3 =	vsel vm0, v3, v5;
	v53 =	vld [tilespmem:s20+$0xC7E0]  }
0x96: {  	v54 =	vsub.s32 v9, v0;
	vm12 =	vmand vm10, vm11;
	v4 =	vadd.s32 $0x61A8, v52;
	[tilespmem:s23+$0xC7F0] =	vst v3  }
0x97: {  	v3 =	vsel vm12, v54, v4;
	v55 =	vld [tilespmem:s20+$0xC7F0]  }
0x98: {  	[tilespmem:s23+$0xC790] =	vst v3  }
0x99: {  	v3 =	vld [tilespmem:s20+$0xC790];
	v56 =	vand.u32 $0x1FF, v51;
	vm13 =	vlt.s32 v51, v1;
	vm10 =	vge.s32 v51, v0  }
0x9a: {  	v6 =	vsub.s32 v51, v0;
	v7 =	vadd.s32 $0x61A8, v56;
	vm14 =	vge.s32 v53, v0  }
0x9b: {  	v57 =	vsub.s32 v53, v0;
	vm0 =	vmand vm10, vm13;
	v59 =	vand.u32 $0x1FF, v53  }
0x9c: {  	vm13 =	vlt.s32 v53, v1;
	vm15 =	vge.s32 v55, v0;
	vm9 =	vlt.s32 v55, v1  }
0x9d: {  	v58 =	vsub.s32 v55, v0;
	v4 =	vand.u32 $0x1FF, v55;
	vm1 =	vmand vm14, vm13  }
0x9e: {  	v62 =	vsel vm0, v6, v7;
	vm11 =	vge.s32 v3, v0;
	v60 =	vand.u32 $0x1FF, v3  }
0x9f: {  	v61 =	vsub.s32 v3, v0;
	vm12 =	vlt.s32 v3, v1;
	v3 =	vadd.s32 $0x61A8, v59  }
0xa0: {  	v4 =	vadd.s32 $0x61A8, v4;
	vm14 =	vmand vm15, vm9;
	[tilespmem:s20+$0xC7B0] =	vst v62;
	v3 =	vsel vm1, v57, v3  }
0xa1: {  	vm15 =	vmand vm11, vm12;
	v63 =	vadd.s32 $0x61A8, v60;
	v4 =	vsel vm14, v58, v4;
	[tilespmem:s20+$0xC7E0] =	vst v3  }
0xa2: {  	v3 =	vsel vm15, v61, v63;
	[tilespmem:s20+$0xC7F0] =	vst v4  }
0xa3: {  	[tilespmem:s20+$0xC790] =	vst v3  }
0xa4: {  	[spmem:s1] =	stream.indirect.scatter.add.f32 [tilespmem:s25], [sflag:$0x1], $0x20, s22, s26, $0xb8;
	[tilespmem:$0x18100] =	vst v63  }
0xa5: {  	s28 =	simm.s32 $0xC880;
	s29 =	simm.s32 $0xDD00  }
0xa6: {  	[spmem:s1] =	stream.indirect.scatter.add.f32 [tilespmem:s29], [sflag:$0x1], $0x20, s28, s26, $0xb8;
	[tilespmem:$0x18100] =	vst v63  }
0xa7: {  	_ = 	snop  }
0xa8: {  	[spmem:s1] =	stream.indirect.scatter.add.f32 [tilespmem:s31], [sflag:$0x1], $0x20, s30, s26, $0xb8;
	[tilespmem:$0x18100] =	vst v63  }
0xa9: {  	_ = 	snop  }
0xaa: {  	[spmem:s1] =	stream.indirect.scatter.add.f32 [tilespmem:s2], [sflag:$0x1], $0x20, s0, s26, $0xb8;
	[tilespmem:$0x18100] =	vst v63  }
0xab: {  	_ = 	snop  }
0xac: {  	[spmem:s1] =	stream.indirect.scatter.add.f32 [tilespmem:s9], [sflag:$0x1], $0x20, s7, s26, $0xb8;
	[tilespmem:$0x18100] =	vst v63  }
0xad: {  	_ = 	snop  }
0xae: {  	[spmem:s1] =	stream.indirect.scatter.add.f32 [tilespmem:s11], [sflag:$0x1], $0x20, s10, s26, $0xb8;
	[tilespmem:$0x18100] =	vst v63  }
0xaf: {  	_ = 	snop  }
0xb0: {  	[spmem:s1] =	stream.indirect.scatter.add.f32 [tilespmem:s13], [sflag:$0x1], $0x20, s12, s26, $0xb8;
	[tilespmem:$0x18100] =	vst v63  }
0xb1: {  	_ = 	snop  }
0xb2: {  	[spmem:s1] =	stream.indirect.scatter.add.f32 [tilespmem:s15], [sflag:$0x1], $0x20, s14, s26, $0xb8;
	[tilespmem:$0x18100] =	vst v63  }
0xb3: {  	_ = 	snop  }
0xb4: {  	[spmem:s1] =	stream.indirect.scatter.add.f32 [tilespmem:s17], [sflag:$0x1], $0x20, s16, s26, $0xb8;
	[tilespmem:$0x18100] =	vst v63  }
0xb5: {  	_ = 	snop  }
0xb6: {  	[spmem:s1] =	stream.indirect.scatter.add.f32 [tilespmem:s19], [sflag:$0x1], $0x20, s18, s26, $0xb8;
	[tilespmem:$0x18100] =	vst v63  }
0xb7: {  	_ =	swait.ge [sflag:s21], $0x1000  }
0xb8: {  	[sflag:s21] =	ssyncset.done $0x0  }
0xb9: {  	[sflag:s21] =	ssyncadd.s32 $0xFFFFF000  }
0xba: {  	_ =	swait.ge [sflag:s21], $0x1000  }
0xbb: {  	[sflag:s21] =	ssyncset.done $0x0  }
0xbc: {  	[sflag:s21] =	ssyncadd.s32 $0xFFFFF000  }
0xbd: {  	_ =	swait.ge [sflag:s21], $0x1000  }
0xbe: {  	[sflag:s21] =	ssyncset.done $0x0  }
0xbf: {  	[sflag:s21] =	ssyncadd.s32 $0xFFFFF000  }
0xc0: {  	_ =	swait.ge [sflag:s21], $0x1000  }
0xc1: {  	[sflag:s21] =	ssyncset.done $0x0  }
0xc2: {  	[sflag:s21] =	ssyncadd.s32 $0xFFFFF000  }
0xc3: {  	_ =	swait.ge [sflag:s21], $0x1000  }
0xc4: {  	[sflag:s21] =	ssyncset.done $0x0  }
0xc5: {  	[sflag:s21] =	ssyncadd.s32 $0xFFFFF000  }
0xc6: {  	_ =	swait.ge [sflag:s21], $0x1000  }
0xc7: {  	[sflag:s21] =	ssyncset.done $0x0  }
0xc8: {  	[sflag:s21] =	ssyncadd.s32 $0xFFFFF000  }
0xc9: {  	_ =	swait.ge [sflag:s21], $0x1000  }
0xca: {  	[sflag:s21] =	ssyncset.done $0x0  }
0xcb: {  	[sflag:s21] =	ssyncadd.s32 $0xFFFFF000  }
0xcc: {  	_ =	swait.ge [sflag:s21], $0x1000  }
0xcd: {  	[sflag:s21] =	ssyncset.done $0x0  }
0xce: {  	s8 =	sadd.s32 $0x1, s8;
	[sflag:s21] =	ssyncadd.s32 $0xFFFFF000  }
0xcf: {  	p1 =	sne.s32 s8, $0x5;
	_ =	swait.ge [sflag:s21], $0x1000  }
.Ltmp2:
0xd0: {  	[sflag:s21] =	ssyncset.done $0x0;
	(pc) =	sbr.rel @p1 .LBB2_4-.Ltmp2, $4  }
0xd1: {  	[sflag:s21] =	ssyncadd.s32 $0xFFFFF000  }
0xd2: {  	_ =	swait.ge [sflag:s21], $0x1000  }
0xd3: {  	[sflag:s21] =	ssyncset.done $0x0  }
0xd4: {  	[sflag:s21] =	ssyncadd.s32 $0xFFFFF000  }
0xd5: {  	[bflag:$0x0] =	sbarrier.arrive $0xFFFF  }
0xd6: {  	s20 =	rddreg [dreg:$0x6]  }
0xd7: {  	s8 =	simm.s32 @p0 $0x1FC2;
	s23 =	rddreg [dreg:$0x11]  }
0xd8: {  	[hbm:s20], [sflag:s8] =	dma.local @p0 [spmem:s23], $0xFA0  }
0xd9: {  	s8 =	simm.s32 @p0 $0x2  }
0xda: {  	_ =	swait.ge @p0 [sflag:s8], $0xFA0  }
0xdb: {  	s20 =	stileid.u32;
	s28 =	rddreg [dreg:$0x5]  }
0xdc: {  	s20 =	sshll.u32 @!p0 s20, $0x6;
	[sflag:s8] =	ssyncset.done @p0 $0x0;
	s23 =	rddreg [dreg:$0x4]  }
0xdd: {  	[sflag:s8] =	ssyncadd.s32 @p0 $0xFFFFF060;
	s8 =	sor.u32 @!p0 $0x1C02, s20;
	s20 =	sshrl.u32 @!p0 s28, $0x3  }
0xde: {  	[hbm:s23], [sflag:s8] =	dma.local @!p0 [spmem:s20], $0x1900  }
0xdf: {  	s8 =	simm.s32 @!p0 $0x2  }
0xe0: {  	_ =	swait.ge @!p0 [sflag:s8], $0x1900  }
0xe1: {  	s20 =	rddreg [dreg:$0x12]  }
0xe2: {  	s29 =	rddreg [dreg:$0x7];
	s23 =	sadd.s32 $0x1, s20  }
0xe3: {  	p1 =	sne.s32 s23, s29  }
.Ltmp3:
0xe4: {  	_ = 	snop;
	(pc) =	sbr.rel @p1 .LBB2_1-.Ltmp3, $3  }
0xe5: {  	_ =	sdelay $0x1  }
0xe6: {  	[sflag:s8] =	ssyncset.done @!p0 $0x0  }
0xe7: {  	[sflag:s8] =	ssyncadd.s32 @!p0 $0xFFFFE700  }
0xe8: {  	_ =	sfence.sel $0x180000  }
0xe9: {  	[bflag:$0x0] =	sbarrier.arrive $0xFFFF  }
0xea: {  	_ =	strace $0x9000004A  }
0xeb: {  	s0 =	stileid.u32;
	[bflag:$0x2] =	sbarrier.arrive $0xFFFF  }
0xec: {  	p0 =	sne.s32 s0, $0x0;
	s0 =	rddreg [dreg:$0x3]  }
0xed: {  	s0 =	sadd.s32 @!p0 $0x100000, s0  }
0xee: {  	[sflag:s0] =	ssyncadd.tile.s32 @!p0 $0x1;
	_ =	shalt  }
.Lfunc_end2:
_tile_overlayer_lowered:
.L_overlay_start_2:
0xef: {  	(tag) =	ssettag $0x2  }
0xf0: {  	s0 =	rddreg [dreg:$0x0];
	s2 =	stileid.u32  }
0xf1: {  	s1 =	rddreg [dreg:$0x1];
	p0 =	sne.s32 s2, $0x0  }
0xf2: {  	s3 =	rddreg [dreg:$0x2];
	[bflag:$0x3] =	sbarrier.arrive $0xFFFF;
	s2 =	simm.s32 @!p0 $0x1C02  }
0xf3: {  	[timem:s3], [sflag:s2] =	dma.local @!p0 [hbm:s0], s1  }
0xf4: {  	s0 =	simm.s32 @!p0 $0x2  }
0xf5: {  	_ =	swait.ge @!p0 [sflag:s0], s1  }
0xf6: {  	s1 =	ssub.s32 @!p0 $0x0, s1;
	[sflag:s0] =	ssyncset.done @!p0 $0x0  }
0xf7: {  	[sflag:s0] =	ssyncadd.s32 @!p0 s1  }
0xf8: {  	[bflag:$0x3] =	sbarrier.arrive $0xFFFF  }
0xf9: {  	_ =	shalt  }

</sc_bundles>
